<compile_context>
chip_gen: v7x
topology: tpu7x:2x2x1
jax: 0.10.2.dev20260603
libtpu: 0.0.44.dev20260713+nightly
codegen_flags: <defaults>
</compile_context>

<pallas_src>
import functools

import jax
import jax.numpy as jnp
from jax import lax
from jax.experimental import pallas as pl
from jax.experimental.pallas import tpu as pltpu
from jax.experimental.pallas import tpu_sc as plsc

_NC = 2
_NS = 16
_NW = _NC * _NS
_CH = 128
_NB = 2
_NH = 2
_EPS = 1e-5


def _mesh():
    return plsc.VectorSubcoreMesh(core_axis_name="c", subcore_axis_name="s")


def _make_deg_kernel(S, nacc):
    rpt = nacc // _NS

    @functools.partial(
        pl.kernel,
        out_type=jax.ShapeDtypeStruct((_NC, nacc, 16), jnp.float32),
        mesh=_mesh(),
        compiler_params=pltpu.CompilerParams(use_tc_tiling_on_sc=False),
        scratch_types=[
            pltpu.VMEM((S, _CH), jnp.int32),
            pltpu.VMEM((_CH, 16), jnp.float32),
            pltpu.VMEM_SHARED((nacc, 16), jnp.float32),
        ],
    )
    def deg_kernel(idx_hbm, ones_hbm, z16_hbm, out_hbm, dstv, onesv, acc):
        c = lax.axis_index("c")
        s = lax.axis_index("s")
        wid = c * _NS + s
        pltpu.sync_copy(idx_hbm.at[1, wid], dstv)
        pltpu.sync_copy(ones_hbm, onesv)
        pltpu.sync_copy(z16_hbm.at[pl.ds(s * rpt, rpt)],
                        acc.at[pl.ds(s * rpt, rpt)])
        plsc.subcore_barrier()

        def body(j, carry):
            pltpu.sync_copy(onesv, acc.at[dstv.at[j]], add=True)
            return carry

        lax.fori_loop(0, S, body, 0)
        plsc.subcore_barrier()
        pltpu.sync_copy(acc.at[pl.ds(s * rpt, rpt)],
                        out_hbm.at[c, pl.ds(s * rpt, rpt)])

    return deg_kernel


def _make_agg_kernel(S, nacc, dh):
    rpt = nacc // _NS

    @functools.partial(
        pl.kernel,
        out_type=jax.ShapeDtypeStruct((_NC, _NH, nacc, dh), jnp.float32),
        mesh=_mesh(),
        compiler_params=pltpu.CompilerParams(use_tc_tiling_on_sc=False),
        scratch_types=[
            pltpu.VMEM((S, _CH), jnp.int32),
            pltpu.VMEM((S, _CH), jnp.int32),
            pltpu.VMEM((_NB, _CH, dh), jnp.float32),
            pltpu.VMEM_SHARED((nacc, dh), jnp.float32),
        ] + [pltpu.SemaphoreType.DMA] * _NB,
    )
    def agg_kernel(g_hbm, idx_hbm, z_hbm, out_hbm,
                   srcv, dstv, rowbuf, acc, *gsems):
        c = lax.axis_index("c")
        s = lax.axis_index("s")
        wid = c * _NS + s
        pltpu.sync_copy(idx_hbm.at[0, wid], srcv)
        pltpu.sync_copy(idx_hbm.at[1, wid], dstv)

        def gather(j, b):
            pltpu.async_copy(ghalf.at[srcv.at[j]], rowbuf.at[b], gsems[b])

        def gather_wait(j, b):
            pltpu.make_async_copy(
                ghalf.at[srcv.at[j]], rowbuf.at[b], gsems[b]).wait()

        def scatter(j, b):
            pltpu.sync_copy(rowbuf.at[b], acc.at[dstv.at[j]], add=True)

        for h in range(_NH):
            ghalf = g_hbm.at[h]
            pltpu.sync_copy(z_hbm.at[pl.ds(s * rpt, rpt)],
                            acc.at[pl.ds(s * rpt, rpt)])
            plsc.subcore_barrier()

            for b in range(_NB):
                gather(b, b)

            def rounds(r, carry):
                for b in range(_NB):
                    j = _NB * r + b
                    gather_wait(j, b)
                    scatter(j, b)
                    gather(j + _NB, b)
                return carry

            lax.fori_loop(0, (S - _NB) // _NB, rounds, 0)
            for b in range(_NB):
                j = S - _NB + b
                gather_wait(j, b)
                scatter(j, b)

            plsc.subcore_barrier()
            pltpu.sync_copy(acc.at[pl.ds(s * rpt, rpt)],
                            out_hbm.at[c, h, pl.ds(s * rpt, rpt)])

    return agg_kernel


def _tc_scale_mm(deg_parts, x, wsplit):
    n, d = x.shape
    dh = d // _NH

    def body(dp_ref, x_ref, w_ref, dv_ref, g_ref):
        deg = dp_ref[0, :n, 0:1] + dp_ref[1, :n, 0:1]
        dv = lax.rsqrt(jnp.maximum(deg, 1.0))
        dv_ref[...] = dv
        xs = x_ref[...] * dv
        for h in range(_NH):
            g_ref[h] = jnp.dot(xs, w_ref[h],
                               preferred_element_type=jnp.float32)

    return pl.pallas_call(
        body,
        out_shape=(
            jax.ShapeDtypeStruct((n, 1), jnp.float32),
            jax.ShapeDtypeStruct((_NH, n, dh), jnp.float32),
        ),
        compiler_params=pltpu.CompilerParams(
            vmem_limit_bytes=100 * 1024 * 1024),
    )(deg_parts, x, wsplit)


def _tc_layer(p, dinv_col, sel, bias, gamma, beta, matbias, xprev,
              wsplit):
    n, d = xprev.shape
    dh = d // _NH

    def body(p_ref, dv_ref, sel_ref, b_ref, ga_ref, be_ref, mb_ref, xp_ref,
             w_ref, xn_ref, gn_ref):
        z = jnp.concatenate(
            [p_ref[0, h, :n] + p_ref[1, h, :n] for h in range(_NH)],
            axis=1) * dv_ref[...] + b_ref[...]
        mean = jnp.mean(z, axis=0, keepdims=True)
        var = jnp.mean((z - mean) ** 2, axis=0, keepdims=True)
        hh = ga_ref[...] * (z - mean) / jnp.sqrt(var + _EPS) + be_ref[...]
        xn = jnp.maximum(hh, 0.0) + xp_ref[...]
        xn_ref[...] = xn
        sel = sel_ref[0, 0]
        xs = xn * (dv_ref[...] * sel + (1.0 - sel))
        for h in range(_NH):
            gn_ref[h] = jnp.dot(xs, w_ref[h],
                                preferred_element_type=jnp.float32) + mb_ref[h]

    return pl.pallas_call(
        body,
        out_shape=(
            jax.ShapeDtypeStruct((n, d), jnp.float32),
            jax.ShapeDtypeStruct((_NH, n, dh), jnp.float32),
        ),
        compiler_params=pltpu.CompilerParams(
            vmem_limit_bytes=100 * 1024 * 1024),
        input_output_aliases={7: 0},
    )(p, dinv_col, sel, bias, gamma, beta, matbias, xprev, wsplit)


def kernel(x, edge_index, Ws, bs, gammas, betas, W_out, b_out):
    n, d = x.shape
    e = edge_index.shape[1]
    num_layers = Ws.shape[0]
    dh = d // _NH

    loop = jnp.arange(n, dtype=edge_index.dtype)
    e_tot = e + n

    nacc = -(-(n + 8) // 128) * 128

    per_tile = -(-e_tot // _NW)
    S = -(-per_tile // _CH)
    S = max(-(-S // _NB) * _NB, 2 * _NB)
    e_pad = _NW * S * _CH
    npad = e_pad - e_tot
    gpt = (nacc - n) // _NW
    qs = jnp.arange(npad, dtype=edge_index.dtype)
    pad_tile = ((e_tot + qs) // _CH) % _NW
    pad_dst = n + pad_tile + _NW * (qs % gpt)
    ei_pad = jnp.concatenate(
        [edge_index, jnp.broadcast_to(loop, (2, n)),
         jnp.stack([qs % n, pad_dst])], axis=1)
    idx3 = ei_pad.reshape(2, S, _NW, _CH).transpose(0, 2, 1, 3)

    zrows16 = jnp.zeros((nacc, 16), jnp.float32)
    zrows = jnp.zeros((nacc, dh), jnp.float32)
    ones16 = jnp.ones((_CH, 16), jnp.float32)

    deg_parts = _make_deg_kernel(S, nacc)(idx3, ones16, zrows16)

    agg = _make_agg_kernel(S, nacc, dh)

    def split_w(w):
        return w.reshape(d, _NH, dh).transpose(1, 0, 2)

    dinv_col, g = _tc_scale_mm(deg_parts, x, split_w(Ws[0]))

    wnext = jnp.stack([split_w(w) for w in Ws[1:]] + [split_w(W_out)])
    sel_stack = jnp.concatenate(
        [jnp.ones((num_layers - 1, 1, 1), jnp.float32),
         jnp.zeros((1, 1, 1), jnp.float32)])
    matbias = jnp.concatenate(
        [jnp.zeros((num_layers - 1, _NH, 1, dh), jnp.float32),
         b_out.reshape(1, _NH, 1, dh)], axis=0)

    def step(carry, xs_l):
        xcur, gcur = carry
        wn, sel, mb, b_l, ga_l, be_l = xs_l
        p = agg(gcur, idx3, zrows)
        xn, gn = _tc_layer(p, dinv_col, sel, b_l, ga_l, be_l, mb, xcur, wn)
        return (xn, gn), None

    (_, gfin), _ = lax.scan(
        step, (x, g),
        (wnext, sel_stack, matbias,
         bs.reshape(num_layers, 1, d), gammas.reshape(num_layers, 1, d),
         betas.reshape(num_layers, 1, d)))
    return jnp.concatenate([gfin[h] for h in range(_NH)], axis=1)

# --- scband reference (transcript-rebuilt; emitter-appended) ---
"""Pipeline reference for scband-gnn-73813307949751 (READ-ONLY COPY).

The authoritative reference and input builder live on the scoring server;
editing this copy changes nothing except your own understanding.
"""

import jax, jax.numpy as jnp
import numpy as np

N = 10000
E = 320000
D = 128
L = 3
EPS = 1e-5


def setup_inputs(seed: int = 0):
    key = jax.random.key(seed)
    ks = jax.random.split(key, 6)
    x = jax.random.normal(ks[0], (N, D), dtype=jnp.float32)
    edge_index = jax.random.randint(ks[1], (2, E), 0, N, dtype=jnp.int32)
    Ws = jax.random.normal(ks[2], (L, D, D), dtype=jnp.float32) * (1.0 / np.sqrt(D))
    bs = jnp.zeros((L, D), dtype=jnp.float32)
    gammas = jnp.ones((L, D), dtype=jnp.float32)
    betas = jnp.zeros((L, D), dtype=jnp.float32)
    W_out = jax.random.normal(ks[3], (D, D), dtype=jnp.float32) * (1.0 / np.sqrt(D))
    b_out = jnp.zeros((D,), dtype=jnp.float32)
    return {
        'x': x, 'edge_index': edge_index,
        'Ws': Ws, 'bs': bs, 'gammas': gammas, 'betas': betas,
        'W_out': W_out, 'b_out': b_out,
    }


def _gcn_conv(x, src, dst, dinv, W, b):
    # GCNConv: h = W x, then symmetric-normalized aggregation (self-loops included in src/dst)
    h = x @ W
    coef = (dinv[src] * dinv[dst])[:, None]
    msg = h[src] * coef
    out = jnp.zeros_like(h).at[dst].add(msg)
    return out + b


def _batch_norm(x, gamma, beta):
    mean = jnp.mean(x, axis=0)
    var = jnp.mean((x - mean) ** 2, axis=0)
    return gamma * (x - mean) / jnp.sqrt(var + EPS) + beta


def reference(x, edge_index, Ws, bs, gammas, betas, W_out, b_out):
    n = x.shape[0]
    loop = jnp.arange(n, dtype=edge_index.dtype)
    src = jnp.concatenate([edge_index[0], loop])
    dst = jnp.concatenate([edge_index[1], loop])
    deg = jnp.zeros((n,), dtype=x.dtype).at[dst].add(1.0)
    dinv = 1.0 / jnp.sqrt(jnp.clip(deg, 1.0))
    previous_x = x
    for l in range(L):
        h = _gcn_conv(x, src, dst, dinv, Ws[l], bs[l])
        h = _batch_norm(h, gammas[l], betas[l])
        h = jax.nn.relu(h)
        # dropout p=0.0 -> identity
        h = h + previous_x  # res=True
        previous_x = h
        x = h
    # readout=True
    out = x @ W_out + b_out
    return out

if __name__ == "__main__":
    import jax
    _d = setup_inputs()
    print(jax.jit(kernel)(*tuple(_d.values())))

</pallas_src>

<mosaic_0001>
#map = affine_map<(d0, d1) -> (0, 0, 0, 0)>
#map1 = affine_map<(d0, d1) -> (0, 0)>
#map2 = affine_map<(d0, d1) -> (0, 0, 0)>
module attributes {stable_mosaic.version = 14 : i64} {
  func.func @deg_kernel(%arg0: i32, %arg1: i32, %arg2: memref<2x32x82x128xi32, #tpu.memory_space<hbm>>, %arg3: memref<128x16xf32, #tpu.memory_space<hbm>>, %arg4: memref<10112x16xf32, #tpu.memory_space<hbm>>, %arg5: memref<2x10112x16xf32, #tpu.memory_space<hbm>>, %arg6: memref<82x128xi32, #tpu.memory_space<vmem>>, %arg7: memref<128x16xf32, #tpu.memory_space<vmem>>, %arg8: memref<10112x16xf32, #tpu.memory_space<vmem_shared>>) attributes {dimension_semantics = [#tpu.dimension_semantics<core_parallel>, #tpu.dimension_semantics<subcore_parallel>], iteration_bounds = array<i64: 2, 16>, scalar_prefetch = 0 : i64, scratch_operands = 3 : i64, tpu.core_type = #tpu.core_type<sc_vector_subcore>, window_params = [{transform_indices = #map}, {transform_indices = #map1}, {transform_indices = #map1}, {transform_indices = #map2}]} {
    %mul3A = arith.constant 16 : i32
    %mul3A_0 = arith.muli %arg0, %mul3A : i32
    %add3A = arith.addi %mul3A_0, %arg1 : i32
    %run_scoped3A = arith.constant 1 : i32
    "tpu.region"() ({
      %run_scoped3A_15 = tpu.sem_alloc : memref<!tpu.dma_semaphore, #tpu.memory_space<semaphore_mem>>
      %dma_start3A = arith.constant 0 : i32
      %dma_start3A_16 = arith.constant 0 : i32
      %dma_start3A_17 = tpu.memref_slice %arg2[%run_scoped3A, %add3A, %dma_start3A, %dma_start3A_16] : memref<2x32x82x128xi32, #tpu.memory_space<hbm>> -> memref<1x1x82x128xi32, #tpu.memory_space<hbm>>
      %dma_start3A_18 = tpu.memref_squeeze %dma_start3A_17 : memref<1x1x82x128xi32, #tpu.memory_space<hbm>> -> memref<82x128xi32, #tpu.memory_space<hbm>>
      %dma_start3A_19 = arith.constant 0 : i32
      %dma_start3A_20 = arith.constant 0 : i32
      %dma_start3A_21 = tpu.memref_slice %arg2[%run_scoped3A, %add3A, %dma_start3A_19, %dma_start3A_20] : memref<2x32x82x128xi32, #tpu.memory_space<hbm>> -> memref<1x1x82x128xi32, #tpu.memory_space<hbm>>
      %dma_start3A_22 = tpu.memref_squeeze %dma_start3A_21 : memref<1x1x82x128xi32, #tpu.memory_space<hbm>> -> memref<82x128xi32, #tpu.memory_space<hbm>>
      tpu.enqueue_dma source(%dma_start3A_22 : memref<82x128xi32, #tpu.memory_space<hbm>>) target(%arg6 : memref<82x128xi32, #tpu.memory_space<vmem>>) target_semaphore(%run_scoped3A_15 : memref<!tpu.dma_semaphore, #tpu.memory_space<semaphore_mem>>)
      %dma_wait3A = arith.constant 0 : i32
      %dma_wait3A_23 = arith.constant 0 : i32
      %dma_wait3A_24 = tpu.memref_slice %arg2[%run_scoped3A, %add3A, %dma_wait3A, %dma_wait3A_23] : memref<2x32x82x128xi32, #tpu.memory_space<hbm>> -> memref<1x1x82x128xi32, #tpu.memory_space<hbm>>
      %dma_wait3A_25 = tpu.memref_squeeze %dma_wait3A_24 : memref<1x1x82x128xi32, #tpu.memory_space<hbm>> -> memref<82x128xi32, #tpu.memory_space<hbm>>
      %dma_wait3A_26 = arith.constant 0 : i32
      %dma_wait3A_27 = arith.constant 0 : i32
      %dma_wait3A_28 = tpu.memref_slice %arg2[%run_scoped3A, %add3A, %dma_wait3A_26, %dma_wait3A_27] : memref<2x32x82x128xi32, #tpu.memory_space<hbm>> -> memref<1x1x82x128xi32, #tpu.memory_space<hbm>>
      %dma_wait3A_29 = tpu.memref_squeeze %dma_wait3A_28 : memref<1x1x82x128xi32, #tpu.memory_space<hbm>> -> memref<82x128xi32, #tpu.memory_space<hbm>>
      tpu.wait_dma2 semaphore(%run_scoped3A_15 : memref<!tpu.dma_semaphore, #tpu.memory_space<semaphore_mem>>) src(%dma_wait3A_29 : memref<82x128xi32, #tpu.memory_space<hbm>>) dst(%arg6 : memref<82x128xi32, #tpu.memory_space<vmem>>)
      tpu.yield
    }) : () -> ()
    "tpu.region"() ({
      %run_scoped3A_15 = tpu.sem_alloc : memref<!tpu.dma_semaphore, #tpu.memory_space<semaphore_mem>>
      tpu.enqueue_dma source(%arg3 : memref<128x16xf32, #tpu.memory_space<hbm>>) target(%arg7 : memref<128x16xf32, #tpu.memory_space<vmem>>) target_semaphore(%run_scoped3A_15 : memref<!tpu.dma_semaphore, #tpu.memory_space<semaphore_mem>>)
      tpu.wait_dma2 semaphore(%run_scoped3A_15 : memref<!tpu.dma_semaphore, #tpu.memory_space<semaphore_mem>>) src(%arg3 : memref<128x16xf32, #tpu.memory_space<hbm>>) dst(%arg7 : memref<128x16xf32, #tpu.memory_space<vmem>>)
      tpu.yield
    }) : () -> ()
    %mul3A_1 = arith.constant 632 : i32
    %mul3A_2 = arith.muli %arg1, %mul3A_1 : i32
    %mul3A_3 = arith.constant 632 : i32
    %mul3A_4 = arith.muli %arg1, %mul3A_3 : i32
    "tpu.region"() ({
      %run_scoped3A_15 = tpu.sem_alloc : memref<!tpu.dma_semaphore, #tpu.memory_space<semaphore_mem>>
      %dma_start3A = arith.constant 0 : i32
      %dma_start3A_16 = tpu.memref_slice %arg8[%mul3A_4, %dma_start3A] : memref<10112x16xf32, #tpu.memory_space<vmem_shared>> -> memref<632x16xf32, #tpu.memory_space<vmem_shared>>
      %dma_start3A_17 = arith.constant 0 : i32
      %dma_start3A_18 = tpu.memref_slice %arg4[%mul3A_2, %dma_start3A_17] : memref<10112x16xf32, #tpu.memory_space<hbm>> -> memref<632x16xf32, #tpu.memory_space<hbm>>
      tpu.enqueue_dma source(%dma_start3A_18 : memref<632x16xf32, #tpu.memory_space<hbm>>) target(%dma_start3A_16 : memref<632x16xf32, #tpu.memory_space<vmem_shared>>) target_semaphore(%run_scoped3A_15 : memref<!tpu.dma_semaphore, #tpu.memory_space<semaphore_mem>>)
      %dma_wait3A = arith.constant 0 : i32
      %dma_wait3A_19 = tpu.memref_slice %arg8[%mul3A_4, %dma_wait3A] : memref<10112x16xf32, #tpu.memory_space<vmem_shared>> -> memref<632x16xf32, #tpu.memory_space<vmem_shared>>
      %dma_wait3A_20 = arith.constant 0 : i32
      %dma_wait3A_21 = tpu.memref_slice %arg4[%mul3A_2, %dma_wait3A_20] : memref<10112x16xf32, #tpu.memory_space<hbm>> -> memref<632x16xf32, #tpu.memory_space<hbm>>
      tpu.wait_dma2 semaphore(%run_scoped3A_15 : memref<!tpu.dma_semaphore, #tpu.memory_space<semaphore_mem>>) src(%dma_wait3A_21 : memref<632x16xf32, #tpu.memory_space<hbm>>) dst(%dma_wait3A_19 : memref<632x16xf32, #tpu.memory_space<vmem_shared>>)
      tpu.yield
    }) : () -> ()
    %barrier3A = arith.constant 0 : index
    tpu.barrier barrier_id(%barrier3A)
    %scan3A = arith.constant 0 : i32
    %scan3A_5 = arith.constant 0 : i32
    %scan3A_6 = arith.constant 82 : i32
    %scan3A_7 = arith.addi %scan3A_5, %scan3A_6 : i32
    %scan3A_8 = arith.constant 1 : i32
    scf.for %scan3A_15 = %scan3A_5 to %scan3A_7 step %scan3A_8  : i32 {
      "tpu.region"() ({
        %run_scoped3A_16 = tpu.sem_alloc : memref<!tpu.dma_semaphore, #tpu.memory_space<semaphore_mem>>
        %dma_start3A = arith.constant 0 : i32
        %dma_start3A_17 = tpu.memref_slice %arg6[%scan3A_15, %dma_start3A] : memref<82x128xi32, #tpu.memory_space<vmem>> -> memref<1x128xi32, #tpu.memory_space<vmem>>
        %dma_start3A_18 = tpu.memref_squeeze %dma_start3A_17 : memref<1x128xi32, #tpu.memory_space<vmem>> -> memref<128xi32, #tpu.memory_space<vmem>>
        %dma_start3A_19 = arith.constant 0 : i32
        %dma_start3A_20 = arith.constant 0 : i32
        %dma_start3A_21 = tpu.memref_slice %arg8[%dma_start3A_19, %dma_start3A_20] : memref<10112x16xf32, #tpu.memory_space<vmem_shared>> -> memref<10112x16xf32, #tpu.memory_space<vmem_shared>>
        tpu.enqueue_indirect_dma source(%arg7 : memref<128x16xf32, #tpu.memory_space<vmem>>) target(%dma_start3A_21 : memref<10112x16xf32, #tpu.memory_space<vmem_shared>>) offsets(%dma_start3A_18 : memref<128xi32, #tpu.memory_space<vmem>>) semaphore(%run_scoped3A_16 : memref<!tpu.dma_semaphore, #tpu.memory_space<semaphore_mem>>) {add = true}
        %dma_wait3A = arith.constant 0 : i32
        %dma_wait3A_22 = tpu.memref_slice %arg6[%scan3A_15, %dma_wait3A] : memref<82x128xi32, #tpu.memory_space<vmem>> -> memref<1x128xi32, #tpu.memory_space<vmem>>
        %dma_wait3A_23 = tpu.memref_squeeze %dma_wait3A_22 : memref<1x128xi32, #tpu.memory_space<vmem>> -> memref<128xi32, #tpu.memory_space<vmem>>
        %dma_wait3A_24 = arith.constant 0 : i32
        %dma_wait3A_25 = arith.constant 0 : i32
        %dma_wait3A_26 = tpu.memref_slice %arg8[%dma_wait3A_24, %dma_wait3A_25] : memref<10112x16xf32, #tpu.memory_space<vmem_shared>> -> memref<10112x16xf32, #tpu.memory_space<vmem_shared>>
        tpu.wait_indirect_dma semaphore(%run_scoped3A_16 : memref<!tpu.dma_semaphore, #tpu.memory_space<semaphore_mem>>) src(%arg7 : memref<128x16xf32, #tpu.memory_space<vmem>>) dst(%dma_wait3A_26 : memref<10112x16xf32, #tpu.memory_space<vmem_shared>>)
        tpu.yield
      }) : () -> ()
    }
    %scan3A_9 = arith.constant 82 : i32
    %barrier3A_10 = arith.constant 0 : index
    tpu.barrier barrier_id(%barrier3A_10)
    %mul3A_11 = arith.constant 632 : i32
    %mul3A_12 = arith.muli %arg1, %mul3A_11 : i32
    %mul3A_13 = arith.constant 632 : i32
    %mul3A_14 = arith.muli %arg1, %mul3A_13 : i32
    "tpu.region"() ({
      %run_scoped3A_15 = tpu.sem_alloc : memref<!tpu.dma_semaphore, #tpu.memory_space<semaphore_mem>>
      %dma_start3A = arith.constant 0 : i32
      %dma_start3A_16 = tpu.memref_slice %arg5[%arg0, %mul3A_14, %dma_start3A] : memref<2x10112x16xf32, #tpu.memory_space<hbm>> -> memref<1x632x16xf32, #tpu.memory_space<hbm>>
      %dma_start3A_17 = tpu.memref_squeeze %dma_start3A_16 : memref<1x632x16xf32, #tpu.memory_space<hbm>> -> memref<632x16xf32, #tpu.memory_space<hbm>>
      %dma_start3A_18 = arith.constant 0 : i32
      %dma_start3A_19 = tpu.memref_slice %arg8[%mul3A_12, %dma_start3A_18] : memref<10112x16xf32, #tpu.memory_space<vmem_shared>> -> memref<632x16xf32, #tpu.memory_space<vmem_shared>>
      tpu.enqueue_dma source(%dma_start3A_19 : memref<632x16xf32, #tpu.memory_space<vmem_shared>>) target(%dma_start3A_17 : memref<632x16xf32, #tpu.memory_space<hbm>>) target_semaphore(%run_scoped3A_15 : memref<!tpu.dma_semaphore, #tpu.memory_space<semaphore_mem>>)
      %dma_wait3A = arith.constant 0 : i32
      %dma_wait3A_20 = tpu.memref_slice %arg5[%arg0, %mul3A_14, %dma_wait3A] : memref<2x10112x16xf32, #tpu.memory_space<hbm>> -> memref<1x632x16xf32, #tpu.memory_space<hbm>>
      %dma_wait3A_21 = tpu.memref_squeeze %dma_wait3A_20 : memref<1x632x16xf32, #tpu.memory_space<hbm>> -> memref<632x16xf32, #tpu.memory_space<hbm>>
      %dma_wait3A_22 = arith.constant 0 : i32
      %dma_wait3A_23 = tpu.memref_slice %arg8[%mul3A_12, %dma_wait3A_22] : memref<10112x16xf32, #tpu.memory_space<vmem_shared>> -> memref<632x16xf32, #tpu.memory_space<vmem_shared>>
      tpu.wait_dma2 semaphore(%run_scoped3A_15 : memref<!tpu.dma_semaphore, #tpu.memory_space<semaphore_mem>>) src(%dma_wait3A_23 : memref<632x16xf32, #tpu.memory_space<vmem_shared>>) dst(%dma_wait3A_21 : memref<632x16xf32, #tpu.memory_space<hbm>>)
      tpu.yield
    }) : () -> ()
    return
  }
}

#map = affine_map<(d0, d1) -> (0, 0, 0)>
#map1 = affine_map<(d0, d1) -> (0, 0, 0, 0)>
#map2 = affine_map<(d0, d1) -> (0, 0)>
module attributes {stable_mosaic.version = 14 : i64} {
  func.func @agg_kernel(%arg0: i32, %arg1: i32, %arg2: memref<2x10000x64xf32, #tpu.memory_space<hbm>>, %arg3: memref<2x32x82x128xi32, #tpu.memory_space<hbm>>, %arg4: memref<10112x64xf32, #tpu.memory_space<hbm>>, %arg5: memref<2x2x10112x64xf32, #tpu.memory_space<hbm>>, %arg6: memref<82x128xi32, #tpu.memory_space<vmem>>, %arg7: memref<82x128xi32, #tpu.memory_space<vmem>>, %arg8: memref<2x128x64xf32, #tpu.memory_space<vmem>>, %arg9: memref<10112x64xf32, #tpu.memory_space<vmem_shared>>, %arg10: memref<!tpu.dma_semaphore, #tpu.memory_space<semaphore_mem>>, %arg11: memref<!tpu.dma_semaphore, #tpu.memory_space<semaphore_mem>>) attributes {dimension_semantics = [#tpu.dimension_semantics<core_parallel>, #tpu.dimension_semantics<subcore_parallel>], iteration_bounds = array<i64: 2, 16>, scalar_prefetch = 0 : i64, scratch_operands = 6 : i64, tpu.core_type = #tpu.core_type<sc_vector_subcore>, window_params = [{transform_indices = #map}, {transform_indices = #map1}, {transform_indices = #map2}, {transform_indices = #map1}]} {
    %mul3A = arith.constant 16 : i32
    %mul3A_0 = arith.muli %arg0, %mul3A : i32
    %add3A = arith.addi %mul3A_0, %arg1 : i32
    %run_scoped3A = arith.constant 0 : i32
    "tpu.region"() ({
      %run_scoped3A_178 = tpu.sem_alloc : memref<!tpu.dma_semaphore, #tpu.memory_space<semaphore_mem>>
      %dma_start3A_179 = arith.constant 0 : i32
      %dma_start3A_180 = arith.constant 0 : i32
      %dma_start3A_181 = tpu.memref_slice %arg3[%run_scoped3A, %add3A, %dma_start3A_179, %dma_start3A_180] : memref<2x32x82x128xi32, #tpu.memory_space<hbm>> -> memref<1x1x82x128xi32, #tpu.memory_space<hbm>>
      %dma_start3A_182 = tpu.memref_squeeze %dma_start3A_181 : memref<1x1x82x128xi32, #tpu.memory_space<hbm>> -> memref<82x128xi32, #tpu.memory_space<hbm>>
      %dma_start3A_183 = arith.constant 0 : i32
      %dma_start3A_184 = arith.constant 0 : i32
      %dma_start3A_185 = tpu.memref_slice %arg3[%run_scoped3A, %add3A, %dma_start3A_183, %dma_start3A_184] : memref<2x32x82x128xi32, #tpu.memory_space<hbm>> -> memref<1x1x82x128xi32, #tpu.memory_space<hbm>>
      %dma_start3A_186 = tpu.memref_squeeze %dma_start3A_185 : memref<1x1x82x128xi32, #tpu.memory_space<hbm>> -> memref<82x128xi32, #tpu.memory_space<hbm>>
      tpu.enqueue_dma source(%dma_start3A_186 : memref<82x128xi32, #tpu.memory_space<hbm>>) target(%arg6 : memref<82x128xi32, #tpu.memory_space<vmem>>) target_semaphore(%run_scoped3A_178 : memref<!tpu.dma_semaphore, #tpu.memory_space<semaphore_mem>>)
      %dma_wait3A_187 = arith.constant 0 : i32
      %dma_wait3A_188 = arith.constant 0 : i32
      %dma_wait3A_189 = tpu.memref_slice %arg3[%run_scoped3A, %add3A, %dma_wait3A_187, %dma_wait3A_188] : memref<2x32x82x128xi32, #tpu.memory_space<hbm>> -> memref<1x1x82x128xi32, #tpu.memory_space<hbm>>
      %dma_wait3A_190 = tpu.memref_squeeze %dma_wait3A_189 : memref<1x1x82x128xi32, #tpu.memory_space<hbm>> -> memref<82x128xi32, #tpu.memory_space<hbm>>
      %dma_wait3A_191 = arith.constant 0 : i32
      %dma_wait3A_192 = arith.constant 0 : i32
      %dma_wait3A_193 = tpu.memref_slice %arg3[%run_scoped3A, %add3A, %dma_wait3A_191, %dma_wait3A_192] : memref<2x32x82x128xi32, #tpu.memory_space<hbm>> -> memref<1x1x82x128xi32, #tpu.memory_space<hbm>>
      %dma_wait3A_194 = tpu.memref_squeeze %dma_wait3A_193 : memref<1x1x82x128xi32, #tpu.memory_space<hbm>> -> memref<82x128xi32, #tpu.memory_space<hbm>>
      tpu.wait_dma2 semaphore(%run_scoped3A_178 : memref<!tpu.dma_semaphore, #tpu.memory_space<semaphore_mem>>) src(%dma_wait3A_194 : memref<82x128xi32, #tpu.memory_space<hbm>>) dst(%arg6 : memref<82x128xi32, #tpu.memory_space<vmem>>)
      tpu.yield
    }) : () -> ()
    %run_scoped3A_1 = arith.constant 1 : i32
    "tpu.region"() ({
      %run_scoped3A_178 = tpu.sem_alloc : memref<!tpu.dma_semaphore, #tpu.memory_space<semaphore_mem>>
      %dma_start3A_179 = arith.constant 0 : i32
      %dma_start3A_180 = arith.constant 0 : i32
      %dma_start3A_181 = tpu.memref_slice %arg3[%run_scoped3A_1, %add3A, %dma_start3A_179, %dma_start3A_180] : memref<2x32x82x128xi32, #tpu.memory_space<hbm>> -> memref<1x1x82x128xi32, #tpu.memory_space<hbm>>
      %dma_start3A_182 = tpu.memref_squeeze %dma_start3A_181 : memref<1x1x82x128xi32, #tpu.memory_space<hbm>> -> memref<82x128xi32, #tpu.memory_space<hbm>>
      %dma_start3A_183 = arith.constant 0 : i32
      %dma_start3A_184 = arith.constant 0 : i32
      %dma_start3A_185 = tpu.memref_slice %arg3[%run_scoped3A_1, %add3A, %dma_start3A_183, %dma_start3A_184] : memref<2x32x82x128xi32, #tpu.memory_space<hbm>> -> memref<1x1x82x128xi32, #tpu.memory_space<hbm>>
      %dma_start3A_186 = tpu.memref_squeeze %dma_start3A_185 : memref<1x1x82x128xi32, #tpu.memory_space<hbm>> -> memref<82x128xi32, #tpu.memory_space<hbm>>
      tpu.enqueue_dma source(%dma_start3A_186 : memref<82x128xi32, #tpu.memory_space<hbm>>) target(%arg7 : memref<82x128xi32, #tpu.memory_space<vmem>>) target_semaphore(%run_scoped3A_178 : memref<!tpu.dma_semaphore, #tpu.memory_space<semaphore_mem>>)
      %dma_wait3A_187 = arith.constant 0 : i32
      %dma_wait3A_188 = arith.constant 0 : i32
      %dma_wait3A_189 = tpu.memref_slice %arg3[%run_scoped3A_1, %add3A, %dma_wait3A_187, %dma_wait3A_188] : memref<2x32x82x128xi32, #tpu.memory_space<hbm>> -> memref<1x1x82x128xi32, #tpu.memory_space<hbm>>
      %dma_wait3A_190 = tpu.memref_squeeze %dma_wait3A_189 : memref<1x1x82x128xi32, #tpu.memory_space<hbm>> -> memref<82x128xi32, #tpu.memory_space<hbm>>
      %dma_wait3A_191 = arith.constant 0 : i32
      %dma_wait3A_192 = arith.constant 0 : i32
      %dma_wait3A_193 = tpu.memref_slice %arg3[%run_scoped3A_1, %add3A, %dma_wait3A_191, %dma_wait3A_192] : memref<2x32x82x128xi32, #tpu.memory_space<hbm>> -> memref<1x1x82x128xi32, #tpu.memory_space<hbm>>
      %dma_wait3A_194 = tpu.memref_squeeze %dma_wait3A_193 : memref<1x1x82x128xi32, #tpu.memory_space<hbm>> -> memref<82x128xi32, #tpu.memory_space<hbm>>
      tpu.wait_dma2 semaphore(%run_scoped3A_178 : memref<!tpu.dma_semaphore, #tpu.memory_space<semaphore_mem>>) src(%dma_wait3A_194 : memref<82x128xi32, #tpu.memory_space<hbm>>) dst(%arg7 : memref<82x128xi32, #tpu.memory_space<vmem>>)
      tpu.yield
    }) : () -> ()
    %mul3A_2 = arith.constant 632 : i32
    %mul3A_3 = arith.muli %arg1, %mul3A_2 : i32
    %mul3A_4 = arith.constant 632 : i32
    %mul3A_5 = arith.muli %arg1, %mul3A_4 : i32
    "tpu.region"() ({
      %run_scoped3A_178 = tpu.sem_alloc : memref<!tpu.dma_semaphore, #tpu.memory_space<semaphore_mem>>
      %dma_start3A_179 = arith.constant 0 : i32
      %dma_start3A_180 = tpu.memref_slice %arg9[%mul3A_5, %dma_start3A_179] : memref<10112x64xf32, #tpu.memory_space<vmem_shared>> -> memref<632x64xf32, #tpu.memory_space<vmem_shared>>
      %dma_start3A_181 = arith.constant 0 : i32
      %dma_start3A_182 = tpu.memref_slice %arg4[%mul3A_3, %dma_start3A_181] : memref<10112x64xf32, #tpu.memory_space<hbm>> -> memref<632x64xf32, #tpu.memory_space<hbm>>
      tpu.enqueue_dma source(%dma_start3A_182 : memref<632x64xf32, #tpu.memory_space<hbm>>) target(%dma_start3A_180 : memref<632x64xf32, #tpu.memory_space<vmem_shared>>) target_semaphore(%run_scoped3A_178 : memref<!tpu.dma_semaphore, #tpu.memory_space<semaphore_mem>>)
      %dma_wait3A_183 = arith.constant 0 : i32
      %dma_wait3A_184 = tpu.memref_slice %arg9[%mul3A_5, %dma_wait3A_183] : memref<10112x64xf32, #tpu.memory_space<vmem_shared>> -> memref<632x64xf32, #tpu.memory_space<vmem_shared>>
      %dma_wait3A_185 = arith.constant 0 : i32
      %dma_wait3A_186 = tpu.memref_slice %arg4[%mul3A_3, %dma_wait3A_185] : memref<10112x64xf32, #tpu.memory_space<hbm>> -> memref<632x64xf32, #tpu.memory_space<hbm>>
      tpu.wait_dma2 semaphore(%run_scoped3A_178 : memref<!tpu.dma_semaphore, #tpu.memory_space<semaphore_mem>>) src(%dma_wait3A_186 : memref<632x64xf32, #tpu.memory_space<hbm>>) dst(%dma_wait3A_184 : memref<632x64xf32, #tpu.memory_space<vmem_shared>>)
      tpu.yield
    }) : () -> ()
    %barrier3A = arith.constant 0 : index
    tpu.barrier barrier_id(%barrier3A)
    %dma_start3A = arith.constant 0 : i32
    %dma_start3A_6 = arith.constant 0 : i32
    %dma_start3A_7 = arith.constant 0 : i32
    %dma_start3A_8 = arith.constant 0 : i32
    %dma_start3A_9 = arith.constant 0 : i32
    %dma_start3A_10 = tpu.memref_slice %arg8[%dma_start3A_7, %dma_start3A_8, %dma_start3A_9] : memref<2x128x64xf32, #tpu.memory_space<vmem>> -> memref<1x128x64xf32, #tpu.memory_space<vmem>>
    %dma_start3A_11 = tpu.memref_squeeze %dma_start3A_10 : memref<1x128x64xf32, #tpu.memory_space<vmem>> -> memref<128x64xf32, #tpu.memory_space<vmem>>
    %dma_start3A_12 = arith.constant 0 : i32
    %dma_start3A_13 = tpu.memref_slice %arg6[%dma_start3A_6, %dma_start3A_12] : memref<82x128xi32, #tpu.memory_space<vmem>> -> memref<1x128xi32, #tpu.memory_space<vmem>>
    %dma_start3A_14 = tpu.memref_squeeze %dma_start3A_13 : memref<1x128xi32, #tpu.memory_space<vmem>> -> memref<128xi32, #tpu.memory_space<vmem>>
    %dma_start3A_15 = arith.constant 0 : i32
    %dma_start3A_16 = arith.constant 0 : i32
    %dma_start3A_17 = tpu.memref_slice %arg2[%dma_start3A, %dma_start3A_15, %dma_start3A_16] : memref<2x10000x64xf32, #tpu.memory_space<hbm>> -> memref<1x10000x64xf32, #tpu.memory_space<hbm>>
    %dma_start3A_18 = tpu.memref_squeeze %dma_start3A_17 : memref<1x10000x64xf32, #tpu.memory_space<hbm>> -> memref<10000x64xf32, #tpu.memory_space<hbm>>
    %dma_start3A_19 = arith.constant 0 : i32
    %dma_start3A_20 = arith.constant 0 : i32
    %dma_start3A_21 = tpu.memref_slice %dma_start3A_18[%dma_start3A_19, %dma_start3A_20] : memref<10000x64xf32, #tpu.memory_space<hbm>> -> memref<10000x64xf32, #tpu.memory_space<hbm>>
    tpu.enqueue_indirect_dma source(%dma_start3A_21 : memref<10000x64xf32, #tpu.memory_space<hbm>>) target(%dma_start3A_11 : memref<128x64xf32, #tpu.memory_space<vmem>>) offsets(%dma_start3A_14 : memref<128xi32, #tpu.memory_space<vmem>>) semaphore(%arg10 : memref<!tpu.dma_semaphore, #tpu.memory_space<semaphore_mem>>)
    %dma_start3A_22 = arith.constant 0 : i32
    %dma_start3A_23 = arith.constant 1 : i32
    %dma_start3A_24 = arith.constant 1 : i32
    %dma_start3A_25 = arith.constant 0 : i32
    %dma_start3A_26 = arith.constant 0 : i32
    %dma_start3A_27 = tpu.memref_slice %arg8[%dma_start3A_24, %dma_start3A_25, %dma_start3A_26] : memref<2x128x64xf32, #tpu.memory_space<vmem>> -> memref<1x128x64xf32, #tpu.memory_space<vmem>>
    %dma_start3A_28 = tpu.memref_squeeze %dma_start3A_27 : memref<1x128x64xf32, #tpu.memory_space<vmem>> -> memref<128x64xf32, #tpu.memory_space<vmem>>
    %dma_start3A_29 = arith.constant 0 : i32
    %dma_start3A_30 = tpu.memref_slice %arg6[%dma_start3A_23, %dma_start3A_29] : memref<82x128xi32, #tpu.memory_space<vmem>> -> memref<1x128xi32, #tpu.memory_space<vmem>>
    %dma_start3A_31 = tpu.memref_squeeze %dma_start3A_30 : memref<1x128xi32, #tpu.memory_space<vmem>> -> memref<128xi32, #tpu.memory_space<vmem>>
    %dma_start3A_32 = arith.constant 0 : i32
    %dma_start3A_33 = arith.constant 0 : i32
    %dma_start3A_34 = tpu.memref_slice %arg2[%dma_start3A_22, %dma_start3A_32, %dma_start3A_33] : memref<2x10000x64xf32, #tpu.memory_space<hbm>> -> memref<1x10000x64xf32, #tpu.memory_space<hbm>>
    %dma_start3A_35 = tpu.memref_squeeze %dma_start3A_34 : memref<1x10000x64xf32, #tpu.memory_space<hbm>> -> memref<10000x64xf32, #tpu.memory_space<hbm>>
    %dma_start3A_36 = arith.constant 0 : i32
    %dma_start3A_37 = arith.constant 0 : i32
    %dma_start3A_38 = tpu.memref_slice %dma_start3A_35[%dma_start3A_36, %dma_start3A_37] : memref<10000x64xf32, #tpu.memory_space<hbm>> -> memref<10000x64xf32, #tpu.memory_space<hbm>>
    tpu.enqueue_indirect_dma source(%dma_start3A_38 : memref<10000x64xf32, #tpu.memory_space<hbm>>) target(%dma_start3A_28 : memref<128x64xf32, #tpu.memory_space<vmem>>) offsets(%dma_start3A_31 : memref<128xi32, #tpu.memory_space<vmem>>) semaphore(%arg11 : memref<!tpu.dma_semaphore, #tpu.memory_space<semaphore_mem>>)
    %scan3A = arith.constant 0 : i32
    %scan3A_39 = arith.constant 0 : i32
    %scan3A_40 = arith.constant 0 : i32
    %scan3A_41 = arith.constant 40 : i32
    %scan3A_42 = arith.addi %scan3A_40, %scan3A_41 : i32
    %scan3A_43 = arith.constant 1 : i32
    scf.for %scan3A_178 = %scan3A_40 to %scan3A_42 step %scan3A_43  : i32 {
      %mul3A_179 = arith.constant 2 : i32
      %mul3A_180 = arith.muli %mul3A_179, %scan3A_178 : i32
      %add3A_181 = arith.constant 0 : i32
      %add3A_182 = arith.addi %mul3A_180, %add3A_181 : i32
      %dma_wait3A_183 = arith.constant 0 : i32
      %dma_wait3A_184 = arith.constant 0 : i32
      %dma_wait3A_185 = arith.constant 0 : i32
      %dma_wait3A_186 = tpu.memref_slice %arg8[%dma_wait3A_183, %dma_wait3A_184, %dma_wait3A_185] : memref<2x128x64xf32, #tpu.memory_space<vmem>> -> memref<1x128x64xf32, #tpu.memory_space<vmem>>
      %dma_wait3A_187 = tpu.memref_squeeze %dma_wait3A_186 : memref<1x128x64xf32, #tpu.memory_space<vmem>> -> memref<128x64xf32, #tpu.memory_space<vmem>>
      %dma_wait3A_188 = arith.constant 0 : i32
      %dma_wait3A_189 = tpu.memref_slice %arg6[%add3A_182, %dma_wait3A_188] : memref<82x128xi32, #tpu.memory_space<vmem>> -> memref<1x128xi32, #tpu.memory_space<vmem>>
      %dma_wait3A_190 = tpu.memref_squeeze %dma_wait3A_189 : memref<1x128xi32, #tpu.memory_space<vmem>> -> memref<128xi32, #tpu.memory_space<vmem>>
      %dma_wait3A_191 = arith.constant 0 : i32
      %dma_wait3A_192 = arith.constant 0 : i32
      %dma_wait3A_193 = tpu.memref_slice %arg2[%scan3A_39, %dma_wait3A_191, %dma_wait3A_192] : memref<2x10000x64xf32, #tpu.memory_space<hbm>> -> memref<1x10000x64xf32, #tpu.memory_space<hbm>>
      %dma_wait3A_194 = tpu.memref_squeeze %dma_wait3A_193 : memref<1x10000x64xf32, #tpu.memory_space<hbm>> -> memref<10000x64xf32, #tpu.memory_space<hbm>>
      %dma_wait3A_195 = arith.constant 0 : i32
      %dma_wait3A_196 = arith.constant 0 : i32
      %dma_wait3A_197 = tpu.memref_slice %dma_wait3A_194[%dma_wait3A_195, %dma_wait3A_196] : memref<10000x64xf32, #tpu.memory_space<hbm>> -> memref<10000x64xf32, #tpu.memory_space<hbm>>
      tpu.wait_indirect_dma semaphore(%arg10 : memref<!tpu.dma_semaphore, #tpu.memory_space<semaphore_mem>>) src(%dma_wait3A_197 : memref<10000x64xf32, #tpu.memory_space<hbm>>) dst(%dma_wait3A_187 : memref<128x64xf32, #tpu.memory_space<vmem>>)
      %run_scoped3A_198 = arith.constant 0 : i32
      "tpu.region"() ({
        %run_scoped3A_253 = tpu.sem_alloc : memref<!tpu.dma_semaphore, #tpu.memory_space<semaphore_mem>>
        %dma_start3A_254 = arith.constant 0 : i32
        %dma_start3A_255 = arith.constant 0 : i32
        %dma_start3A_256 = tpu.memref_slice %arg8[%run_scoped3A_198, %dma_start3A_254, %dma_start3A_255] : memref<2x128x64xf32, #tpu.memory_space<vmem>> -> memref<1x128x64xf32, #tpu.memory_space<vmem>>
        %dma_start3A_257 = tpu.memref_squeeze %dma_start3A_256 : memref<1x128x64xf32, #tpu.memory_space<vmem>> -> memref<128x64xf32, #tpu.memory_space<vmem>>
        %dma_start3A_258 = arith.constant 0 : i32
        %dma_start3A_259 = tpu.memref_slice %arg7[%add3A_182, %dma_start3A_258] : memref<82x128xi32, #tpu.memory_space<vmem>> -> memref<1x128xi32, #tpu.memory_space<vmem>>
        %dma_start3A_260 = tpu.memref_squeeze %dma_start3A_259 : memref<1x128xi32, #tpu.memory_space<vmem>> -> memref<128xi32, #tpu.memory_space<vmem>>
        %dma_start3A_261 = arith.constant 0 : i32
        %dma_start3A_262 = arith.constant 0 : i32
        %dma_start3A_263 = tpu.memref_slice %arg9[%dma_start3A_261, %dma_start3A_262] : memref<10112x64xf32, #tpu.memory_space<vmem_shared>> -> memref<10112x64xf32, #tpu.memory_space<vmem_shared>>
        tpu.enqueue_indirect_dma source(%dma_start3A_257 : memref<128x64xf32, #tpu.memory_space<vmem>>) target(%dma_start3A_263 : memref<10112x64xf32, #tpu.memory_space<vmem_shared>>) offsets(%dma_start3A_260 : memref<128xi32, #tpu.memory_space<vmem>>) semaphore(%run_scoped3A_253 : memref<!tpu.dma_semaphore, #tpu.memory_space<semaphore_mem>>) {add = true}
        %dma_wait3A_264 = arith.constant 0 : i32
        %dma_wait3A_265 = arith.constant 0 : i32
        %dma_wait3A_266 = tpu.memref_slice %arg8[%run_scoped3A_198, %dma_wait3A_264, %dma_wait3A_265] : memref<2x128x64xf32, #tpu.memory_space<vmem>> -> memref<1x128x64xf32, #tpu.memory_space<vmem>>
        %dma_wait3A_267 = tpu.memref_squeeze %dma_wait3A_266 : memref<1x128x64xf32, #tpu.memory_space<vmem>> -> memref<128x64xf32, #tpu.memory_space<vmem>>
        %dma_wait3A_268 = arith.constant 0 : i32
        %dma_wait3A_269 = tpu.memref_slice %arg7[%add3A_182, %dma_wait3A_268] : memref<82x128xi32, #tpu.memory_space<vmem>> -> memref<1x128xi32, #tpu.memory_space<vmem>>
        %dma_wait3A_270 = tpu.memref_squeeze %dma_wait3A_269 : memref<1x128xi32, #tpu.memory_space<vmem>> -> memref<128xi32, #tpu.memory_space<vmem>>
        %dma_wait3A_271 = arith.constant 0 : i32
        %dma_wait3A_272 = arith.constant 0 : i32
        %dma_wait3A_273 = tpu.memref_slice %arg9[%dma_wait3A_271, %dma_wait3A_272] : memref<10112x64xf32, #tpu.memory_space<vmem_shared>> -> memref<10112x64xf32, #tpu.memory_space<vmem_shared>>
        tpu.wait_indirect_dma semaphore(%run_scoped3A_253 : memref<!tpu.dma_semaphore, #tpu.memory_space<semaphore_mem>>) src(%dma_wait3A_267 : memref<128x64xf32, #tpu.memory_space<vmem>>) dst(%dma_wait3A_273 : memref<10112x64xf32, #tpu.memory_space<vmem_shared>>)
        tpu.yield
      }) : () -> ()
      %add3A_199 = arith.constant 2 : i32
      %add3A_200 = arith.addi %add3A_182, %add3A_199 : i32
      %dma_start3A_201 = arith.constant 0 : i32
      %dma_start3A_202 = arith.constant 0 : i32
      %dma_start3A_203 = arith.constant 0 : i32
      %dma_start3A_204 = tpu.memref_slice %arg8[%dma_start3A_201, %dma_start3A_202, %dma_start3A_203] : memref<2x128x64xf32, #tpu.memory_space<vmem>> -> memref<1x128x64xf32, #tpu.memory_space<vmem>>
      %dma_start3A_205 = tpu.memref_squeeze %dma_start3A_204 : memref<1x128x64xf32, #tpu.memory_space<vmem>> -> memref<128x64xf32, #tpu.memory_space<vmem>>
      %dma_start3A_206 = arith.constant 0 : i32
      %dma_start3A_207 = tpu.memref_slice %arg6[%add3A_200, %dma_start3A_206] : memref<82x128xi32, #tpu.memory_space<vmem>> -> memref<1x128xi32, #tpu.memory_space<vmem>>
      %dma_start3A_208 = tpu.memref_squeeze %dma_start3A_207 : memref<1x128xi32, #tpu.memory_space<vmem>> -> memref<128xi32, #tpu.memory_space<vmem>>
      %dma_start3A_209 = arith.constant 0 : i32
      %dma_start3A_210 = arith.constant 0 : i32
      %dma_start3A_211 = tpu.memref_slice %arg2[%scan3A_39, %dma_start3A_209, %dma_start3A_210] : memref<2x10000x64xf32, #tpu.memory_space<hbm>> -> memref<1x10000x64xf32, #tpu.memory_space<hbm>>
      %dma_start3A_212 = tpu.memref_squeeze %dma_start3A_211 : memref<1x10000x64xf32, #tpu.memory_space<hbm>> -> memref<10000x64xf32, #tpu.memory_space<hbm>>
      %dma_start3A_213 = arith.constant 0 : i32
      %dma_start3A_214 = arith.constant 0 : i32
      %dma_start3A_215 = tpu.memref_slice %dma_start3A_212[%dma_start3A_213, %dma_start3A_214] : memref<10000x64xf32, #tpu.memory_space<hbm>> -> memref<10000x64xf32, #tpu.memory_space<hbm>>
      tpu.enqueue_indirect_dma source(%dma_start3A_215 : memref<10000x64xf32, #tpu.memory_space<hbm>>) target(%dma_start3A_205 : memref<128x64xf32, #tpu.memory_space<vmem>>) offsets(%dma_start3A_208 : memref<128xi32, #tpu.memory_space<vmem>>) semaphore(%arg10 : memref<!tpu.dma_semaphore, #tpu.memory_space<semaphore_mem>>)
      %mul3A_216 = arith.constant 2 : i32
      %mul3A_217 = arith.muli %mul3A_216, %scan3A_178 : i32
      %add3A_218 = arith.constant 1 : i32
      %add3A_219 = arith.addi %mul3A_217, %add3A_218 : i32
      %dma_wait3A_220 = arith.constant 1 : i32
      %dma_wait3A_221 = arith.constant 0 : i32
      %dma_wait3A_222 = arith.constant 0 : i32
      %dma_wait3A_223 = tpu.memref_slice %arg8[%dma_wait3A_220, %dma_wait3A_221, %dma_wait3A_222] : memref<2x128x64xf32, #tpu.memory_space<vmem>> -> memref<1x128x64xf32, #tpu.memory_space<vmem>>
      %dma_wait3A_224 = tpu.memref_squeeze %dma_wait3A_223 : memref<1x128x64xf32, #tpu.memory_space<vmem>> -> memref<128x64xf32, #tpu.memory_space<vmem>>
      %dma_wait3A_225 = arith.constant 0 : i32
      %dma_wait3A_226 = tpu.memref_slice %arg6[%add3A_219, %dma_wait3A_225] : memref<82x128xi32, #tpu.memory_space<vmem>> -> memref<1x128xi32, #tpu.memory_space<vmem>>
      %dma_wait3A_227 = tpu.memref_squeeze %dma_wait3A_226 : memref<1x128xi32, #tpu.memory_space<vmem>> -> memref<128xi32, #tpu.memory_space<vmem>>
      %dma_wait3A_228 = arith.constant 0 : i32
      %dma_wait3A_229 = arith.constant 0 : i32
      %dma_wait3A_230 = tpu.memref_slice %arg2[%scan3A_39, %dma_wait3A_228, %dma_wait3A_229] : memref<2x10000x64xf32, #tpu.memory_space<hbm>> -> memref<1x10000x64xf32, #tpu.memory_space<hbm>>
      %dma_wait3A_231 = tpu.memref_squeeze %dma_wait3A_230 : memref<1x10000x64xf32, #tpu.memory_space<hbm>> -> memref<10000x64xf32, #tpu.memory_space<hbm>>
      %dma_wait3A_232 = arith.constant 0 : i32
      %dma_wait3A_233 = arith.constant 0 : i32
      %dma_wait3A_234 = tpu.memref_slice %dma_wait3A_231[%dma_wait3A_232, %dma_wait3A_233] : memref<10000x64xf32, #tpu.memory_space<hbm>> -> memref<10000x64xf32, #tpu.memory_space<hbm>>
      tpu.wait_indirect_dma semaphore(%arg11 : memref<!tpu.dma_semaphore, #tpu.memory_space<semaphore_mem>>) src(%dma_wait3A_234 : memref<10000x64xf32, #tpu.memory_space<hbm>>) dst(%dma_wait3A_224 : memref<128x64xf32, #tpu.memory_space<vmem>>)
      %run_scoped3A_235 = arith.constant 1 : i32
      "tpu.region"() ({
        %run_scoped3A_253 = tpu.sem_alloc : memref<!tpu.dma_semaphore, #tpu.memory_space<semaphore_mem>>
        %dma_start3A_254 = arith.constant 0 : i32
        %dma_start3A_255 = arith.constant 0 : i32
        %dma_start3A_256 = tpu.memref_slice %arg8[%run_scoped3A_235, %dma_start3A_254, %dma_start3A_255] : memref<2x128x64xf32, #tpu.memory_space<vmem>> -> memref<1x128x64xf32, #tpu.memory_space<vmem>>
        %dma_start3A_257 = tpu.memref_squeeze %dma_start3A_256 : memref<1x128x64xf32, #tpu.memory_space<vmem>> -> memref<128x64xf32, #tpu.memory_space<vmem>>
        %dma_start3A_258 = arith.constant 0 : i32
        %dma_start3A_259 = tpu.memref_slice %arg7[%add3A_219, %dma_start3A_258] : memref<82x128xi32, #tpu.memory_space<vmem>> -> memref<1x128xi32, #tpu.memory_space<vmem>>
        %dma_start3A_260 = tpu.memref_squeeze %dma_start3A_259 : memref<1x128xi32, #tpu.memory_space<vmem>> -> memref<128xi32, #tpu.memory_space<vmem>>
        %dma_start3A_261 = arith.constant 0 : i32
        %dma_start3A_262 = arith.constant 0 : i32
        %dma_start3A_263 = tpu.memref_slice %arg9[%dma_start3A_261, %dma_start3A_262] : memref<10112x64xf32, #tpu.memory_space<vmem_shared>> -> memref<10112x64xf32, #tpu.memory_space<vmem_shared>>
        tpu.enqueue_indirect_dma source(%dma_start3A_257 : memref<128x64xf32, #tpu.memory_space<vmem>>) target(%dma_start3A_263 : memref<10112x64xf32, #tpu.memory_space<vmem_shared>>) offsets(%dma_start3A_260 : memref<128xi32, #tpu.memory_space<vmem>>) semaphore(%run_scoped3A_253 : memref<!tpu.dma_semaphore, #tpu.memory_space<semaphore_mem>>) {add = true}
        %dma_wait3A_264 = arith.constant 0 : i32
        %dma_wait3A_265 = arith.constant 0 : i32
        %dma_wait3A_266 = tpu.memref_slice %arg8[%run_scoped3A_235, %dma_wait3A_264, %dma_wait3A_265] : memref<2x128x64xf32, #tpu.memory_space<vmem>> -> memref<1x128x64xf32, #tpu.memory_space<vmem>>
        %dma_wait3A_267 = tpu.memref_squeeze %dma_wait3A_266 : memref<1x128x64xf32, #tpu.memory_space<vmem>> -> memref<128x64xf32, #tpu.memory_space<vmem>>
        %dma_wait3A_268 = arith.constant 0 : i32
        %dma_wait3A_269 = tpu.memref_slice %arg7[%add3A_219, %dma_wait3A_268] : memref<82x128xi32, #tpu.memory_space<vmem>> -> memref<1x128xi32, #tpu.memory_space<vmem>>
        %dma_wait3A_270 = tpu.memref_squeeze %dma_wait3A_269 : memref<1x128xi32, #tpu.memory_space<vmem>> -> memref<128xi32, #tpu.memory_space<vmem>>
        %dma_wait3A_271 = arith.constant 0 : i32
        %dma_wait3A_272 = arith.constant 0 : i32
        %dma_wait3A_273 = tpu.memref_slice %arg9[%dma_wait3A_271, %dma_wait3A_272] : memref<10112x64xf32, #tpu.memory_space<vmem_shared>> -> memref<10112x64xf32, #tpu.memory_space<vmem_shared>>
        tpu.wait_indirect_dma semaphore(%run_scoped3A_253 : memref<!tpu.dma_semaphore, #tpu.memory_space<semaphore_mem>>) src(%dma_wait3A_267 : memref<128x64xf32, #tpu.memory_space<vmem>>) dst(%dma_wait3A_273 : memref<10112x64xf32, #tpu.memory_space<vmem_shared>>)
        tpu.yield
      }) : () -> ()
      %add3A_236 = arith.constant 2 : i32
      %add3A_237 = arith.addi %add3A_219, %add3A_236 : i32
      %dma_start3A_238 = arith.constant 1 : i32
      %dma_start3A_239 = arith.constant 0 : i32
      %dma_start3A_240 = arith.constant 0 : i32
      %dma_start3A_241 = tpu.memref_slice %arg8[%dma_start3A_238, %dma_start3A_239, %dma_start3A_240] : memref<2x128x64xf32, #tpu.memory_space<vmem>> -> memref<1x128x64xf32, #tpu.memory_space<vmem>>
      %dma_start3A_242 = tpu.memref_squeeze %dma_start3A_241 : memref<1x128x64xf32, #tpu.memory_space<vmem>> -> memref<128x64xf32, #tpu.memory_space<vmem>>
      %dma_start3A_243 = arith.constant 0 : i32
      %dma_start3A_244 = tpu.memref_slice %arg6[%add3A_237, %dma_start3A_243] : memref<82x128xi32, #tpu.memory_space<vmem>> -> memref<1x128xi32, #tpu.memory_space<vmem>>
      %dma_start3A_245 = tpu.memref_squeeze %dma_start3A_244 : memref<1x128xi32, #tpu.memory_space<vmem>> -> memref<128xi32, #tpu.memory_space<vmem>>
      %dma_start3A_246 = arith.constant 0 : i32
      %dma_start3A_247 = arith.constant 0 : i32
      %dma_start3A_248 = tpu.memref_slice %arg2[%scan3A_39, %dma_start3A_246, %dma_start3A_247] : memref<2x10000x64xf32, #tpu.memory_space<hbm>> -> memref<1x10000x64xf32, #tpu.memory_space<hbm>>
      %dma_start3A_249 = tpu.memref_squeeze %dma_start3A_248 : memref<1x10000x64xf32, #tpu.memory_space<hbm>> -> memref<10000x64xf32, #tpu.memory_space<hbm>>
      %dma_start3A_250 = arith.constant 0 : i32
      %dma_start3A_251 = arith.constant 0 : i32
      %dma_start3A_252 = tpu.memref_slice %dma_start3A_249[%dma_start3A_250, %dma_start3A_251] : memref<10000x64xf32, #tpu.memory_space<hbm>> -> memref<10000x64xf32, #tpu.memory_space<hbm>>
      tpu.enqueue_indirect_dma source(%dma_start3A_252 : memref<10000x64xf32, #tpu.memory_space<hbm>>) target(%dma_start3A_242 : memref<128x64xf32, #tpu.memory_space<vmem>>) offsets(%dma_start3A_245 : memref<128xi32, #tpu.memory_space<vmem>>) semaphore(%arg11 : memref<!tpu.dma_semaphore, #tpu.memory_space<semaphore_mem>>)
    }
    %scan3A_44 = arith.constant 40 : i32
    %dma_wait3A = arith.constant 0 : i32
    %dma_wait3A_45 = arith.constant 80 : i32
    %dma_wait3A_46 = arith.constant 0 : i32
    %dma_wait3A_47 = arith.constant 0 : i32
    %dma_wait3A_48 = arith.constant 0 : i32
    %dma_wait3A_49 = tpu.memref_slice %arg8[%dma_wait3A_46, %dma_wait3A_47, %dma_wait3A_48] : memref<2x128x64xf32, #tpu.memory_space<vmem>> -> memref<1x128x64xf32, #tpu.memory_space<vmem>>
    %dma_wait3A_50 = tpu.memref_squeeze %dma_wait3A_49 : memref<1x128x64xf32, #tpu.memory_space<vmem>> -> memref<128x64xf32, #tpu.memory_space<vmem>>
    %dma_wait3A_51 = arith.constant 0 : i32
    %dma_wait3A_52 = tpu.memref_slice %arg6[%dma_wait3A_45, %dma_wait3A_51] : memref<82x128xi32, #tpu.memory_space<vmem>> -> memref<1x128xi32, #tpu.memory_space<vmem>>
    %dma_wait3A_53 = tpu.memref_squeeze %dma_wait3A_52 : memref<1x128xi32, #tpu.memory_space<vmem>> -> memref<128xi32, #tpu.memory_space<vmem>>
    %dma_wait3A_54 = arith.constant 0 : i32
    %dma_wait3A_55 = arith.constant 0 : i32
    %dma_wait3A_56 = tpu.memref_slice %arg2[%dma_wait3A, %dma_wait3A_54, %dma_wait3A_55] : memref<2x10000x64xf32, #tpu.memory_space<hbm>> -> memref<1x10000x64xf32, #tpu.memory_space<hbm>>
    %dma_wait3A_57 = tpu.memref_squeeze %dma_wait3A_56 : memref<1x10000x64xf32, #tpu.memory_space<hbm>> -> memref<10000x64xf32, #tpu.memory_space<hbm>>
    %dma_wait3A_58 = arith.constant 0 : i32
    %dma_wait3A_59 = arith.constant 0 : i32
    %dma_wait3A_60 = tpu.memref_slice %dma_wait3A_57[%dma_wait3A_58, %dma_wait3A_59] : memref<10000x64xf32, #tpu.memory_space<hbm>> -> memref<10000x64xf32, #tpu.memory_space<hbm>>
    tpu.wait_indirect_dma semaphore(%arg10 : memref<!tpu.dma_semaphore, #tpu.memory_space<semaphore_mem>>) src(%dma_wait3A_60 : memref<10000x64xf32, #tpu.memory_space<hbm>>) dst(%dma_wait3A_50 : memref<128x64xf32, #tpu.memory_space<vmem>>)
    %run_scoped3A_61 = arith.constant 0 : i32
    %run_scoped3A_62 = arith.constant 80 : i32
    "tpu.region"() ({
      %run_scoped3A_178 = tpu.sem_alloc : memref<!tpu.dma_semaphore, #tpu.memory_space<semaphore_mem>>
      %dma_start3A_179 = arith.constant 0 : i32
      %dma_start3A_180 = arith.constant 0 : i32
      %dma_start3A_181 = tpu.memref_slice %arg8[%run_scoped3A_61, %dma_start3A_179, %dma_start3A_180] : memref<2x128x64xf32, #tpu.memory_space<vmem>> -> memref<1x128x64xf32, #tpu.memory_space<vmem>>
      %dma_start3A_182 = tpu.memref_squeeze %dma_start3A_181 : memref<1x128x64xf32, #tpu.memory_space<vmem>> -> memref<128x64xf32, #tpu.memory_space<vmem>>
      %dma_start3A_183 = arith.constant 0 : i32
      %dma_start3A_184 = tpu.memref_slice %arg7[%run_scoped3A_62, %dma_start3A_183] : memref<82x128xi32, #tpu.memory_space<vmem>> -> memref<1x128xi32, #tpu.memory_space<vmem>>
      %dma_start3A_185 = tpu.memref_squeeze %dma_start3A_184 : memref<1x128xi32, #tpu.memory_space<vmem>> -> memref<128xi32, #tpu.memory_space<vmem>>
      %dma_start3A_186 = arith.constant 0 : i32
      %dma_start3A_187 = arith.constant 0 : i32
      %dma_start3A_188 = tpu.memref_slice %arg9[%dma_start3A_186, %dma_start3A_187] : memref<10112x64xf32, #tpu.memory_space<vmem_shared>> -> memref<10112x64xf32, #tpu.memory_space<vmem_shared>>
      tpu.enqueue_indirect_dma source(%dma_start3A_182 : memref<128x64xf32, #tpu.memory_space<vmem>>) target(%dma_start3A_188 : memref<10112x64xf32, #tpu.memory_space<vmem_shared>>) offsets(%dma_start3A_185 : memref<128xi32, #tpu.memory_space<vmem>>) semaphore(%run_scoped3A_178 : memref<!tpu.dma_semaphore, #tpu.memory_space<semaphore_mem>>) {add = true}
      %dma_wait3A_189 = arith.constant 0 : i32
      %dma_wait3A_190 = arith.constant 0 : i32
      %dma_wait3A_191 = tpu.memref_slice %arg8[%run_scoped3A_61, %dma_wait3A_189, %dma_wait3A_190] : memref<2x128x64xf32, #tpu.memory_space<vmem>> -> memref<1x128x64xf32, #tpu.memory_space<vmem>>
      %dma_wait3A_192 = tpu.memref_squeeze %dma_wait3A_191 : memref<1x128x64xf32, #tpu.memory_space<vmem>> -> memref<128x64xf32, #tpu.memory_space<vmem>>
      %dma_wait3A_193 = arith.constant 0 : i32
      %dma_wait3A_194 = tpu.memref_slice %arg7[%run_scoped3A_62, %dma_wait3A_193] : memref<82x128xi32, #tpu.memory_space<vmem>> -> memref<1x128xi32, #tpu.memory_space<vmem>>
      %dma_wait3A_195 = tpu.memref_squeeze %dma_wait3A_194 : memref<1x128xi32, #tpu.memory_space<vmem>> -> memref<128xi32, #tpu.memory_space<vmem>>
      %dma_wait3A_196 = arith.constant 0 : i32
      %dma_wait3A_197 = arith.constant 0 : i32
      %dma_wait3A_198 = tpu.memref_slice %arg9[%dma_wait3A_196, %dma_wait3A_197] : memref<10112x64xf32, #tpu.memory_space<vmem_shared>> -> memref<10112x64xf32, #tpu.memory_space<vmem_shared>>
      tpu.wait_indirect_dma semaphore(%run_scoped3A_178 : memref<!tpu.dma_semaphore, #tpu.memory_space<semaphore_mem>>) src(%dma_wait3A_192 : memref<128x64xf32, #tpu.memory_space<vmem>>) dst(%dma_wait3A_198 : memref<10112x64xf32, #tpu.memory_space<vmem_shared>>)
      tpu.yield
    }) : () -> ()
    %dma_wait3A_63 = arith.constant 0 : i32
    %dma_wait3A_64 = arith.constant 81 : i32
    %dma_wait3A_65 = arith.constant 1 : i32
    %dma_wait3A_66 = arith.constant 0 : i32
    %dma_wait3A_67 = arith.constant 0 : i32
    %dma_wait3A_68 = tpu.memref_slice %arg8[%dma_wait3A_65, %dma_wait3A_66, %dma_wait3A_67] : memref<2x128x64xf32, #tpu.memory_space<vmem>> -> memref<1x128x64xf32, #tpu.memory_space<vmem>>
    %dma_wait3A_69 = tpu.memref_squeeze %dma_wait3A_68 : memref<1x128x64xf32, #tpu.memory_space<vmem>> -> memref<128x64xf32, #tpu.memory_space<vmem>>
    %dma_wait3A_70 = arith.constant 0 : i32
    %dma_wait3A_71 = tpu.memref_slice %arg6[%dma_wait3A_64, %dma_wait3A_70] : memref<82x128xi32, #tpu.memory_space<vmem>> -> memref<1x128xi32, #tpu.memory_space<vmem>>
    %dma_wait3A_72 = tpu.memref_squeeze %dma_wait3A_71 : memref<1x128xi32, #tpu.memory_space<vmem>> -> memref<128xi32, #tpu.memory_space<vmem>>
    %dma_wait3A_73 = arith.constant 0 : i32
    %dma_wait3A_74 = arith.constant 0 : i32
    %dma_wait3A_75 = tpu.memref_slice %arg2[%dma_wait3A_63, %dma_wait3A_73, %dma_wait3A_74] : memref<2x10000x64xf32, #tpu.memory_space<hbm>> -> memref<1x10000x64xf32, #tpu.memory_space<hbm>>
    %dma_wait3A_76 = tpu.memref_squeeze %dma_wait3A_75 : memref<1x10000x64xf32, #tpu.memory_space<hbm>> -> memref<10000x64xf32, #tpu.memory_space<hbm>>
    %dma_wait3A_77 = arith.constant 0 : i32
    %dma_wait3A_78 = arith.constant 0 : i32
    %dma_wait3A_79 = tpu.memref_slice %dma_wait3A_76[%dma_wait3A_77, %dma_wait3A_78] : memref<10000x64xf32, #tpu.memory_space<hbm>> -> memref<10000x64xf32, #tpu.memory_space<hbm>>
    tpu.wait_indirect_dma semaphore(%arg11 : memref<!tpu.dma_semaphore, #tpu.memory_space<semaphore_mem>>) src(%dma_wait3A_79 : memref<10000x64xf32, #tpu.memory_space<hbm>>) dst(%dma_wait3A_69 : memref<128x64xf32, #tpu.memory_space<vmem>>)
    %run_scoped3A_80 = arith.constant 1 : i32
    %run_scoped3A_81 = arith.constant 81 : i32
    "tpu.region"() ({
      %run_scoped3A_178 = tpu.sem_alloc : memref<!tpu.dma_semaphore, #tpu.memory_space<semaphore_mem>>
      %dma_start3A_179 = arith.constant 0 : i32
      %dma_start3A_180 = arith.constant 0 : i32
      %dma_start3A_181 = tpu.memref_slice %arg8[%run_scoped3A_80, %dma_start3A_179, %dma_start3A_180] : memref<2x128x64xf32, #tpu.memory_space<vmem>> -> memref<1x128x64xf32, #tpu.memory_space<vmem>>
      %dma_start3A_182 = tpu.memref_squeeze %dma_start3A_181 : memref<1x128x64xf32, #tpu.memory_space<vmem>> -> memref<128x64xf32, #tpu.memory_space<vmem>>
      %dma_start3A_183 = arith.constant 0 : i32
      %dma_start3A_184 = tpu.memref_slice %arg7[%run_scoped3A_81, %dma_start3A_183] : memref<82x128xi32, #tpu.memory_space<vmem>> -> memref<1x128xi32, #tpu.memory_space<vmem>>
      %dma_start3A_185 = tpu.memref_squeeze %dma_start3A_184 : memref<1x128xi32, #tpu.memory_space<vmem>> -> memref<128xi32, #tpu.memory_space<vmem>>
      %dma_start3A_186 = arith.constant 0 : i32
      %dma_start3A_187 = arith.constant 0 : i32
      %dma_start3A_188 = tpu.memref_slice %arg9[%dma_start3A_186, %dma_start3A_187] : memref<10112x64xf32, #tpu.memory_space<vmem_shared>> -> memref<10112x64xf32, #tpu.memory_space<vmem_shared>>
      tpu.enqueue_indirect_dma source(%dma_start3A_182 : memref<128x64xf32, #tpu.memory_space<vmem>>) target(%dma_start3A_188 : memref<10112x64xf32, #tpu.memory_space<vmem_shared>>) offsets(%dma_start3A_185 : memref<128xi32, #tpu.memory_space<vmem>>) semaphore(%run_scoped3A_178 : memref<!tpu.dma_semaphore, #tpu.memory_space<semaphore_mem>>) {add = true}
      %dma_wait3A_189 = arith.constant 0 : i32
      %dma_wait3A_190 = arith.constant 0 : i32
      %dma_wait3A_191 = tpu.memref_slice %arg8[%run_scoped3A_80, %dma_wait3A_189, %dma_wait3A_190] : memref<2x128x64xf32, #tpu.memory_space<vmem>> -> memref<1x128x64xf32, #tpu.memory_space<vmem>>
      %dma_wait3A_192 = tpu.memref_squeeze %dma_wait3A_191 : memref<1x128x64xf32, #tpu.memory_space<vmem>> -> memref<128x64xf32, #tpu.memory_space<vmem>>
      %dma_wait3A_193 = arith.constant 0 : i32
      %dma_wait3A_194 = tpu.memref_slice %arg7[%run_scoped3A_81, %dma_wait3A_193] : memref<82x128xi32, #tpu.memory_space<vmem>> -> memref<1x128xi32, #tpu.memory_space<vmem>>
      %dma_wait3A_195 = tpu.memref_squeeze %dma_wait3A_194 : memref<1x128xi32, #tpu.memory_space<vmem>> -> memref<128xi32, #tpu.memory_space<vmem>>
      %dma_wait3A_196 = arith.constant 0 : i32
      %dma_wait3A_197 = arith.constant 0 : i32
      %dma_wait3A_198 = tpu.memref_slice %arg9[%dma_wait3A_196, %dma_wait3A_197] : memref<10112x64xf32, #tpu.memory_space<vmem_shared>> -> memref<10112x64xf32, #tpu.memory_space<vmem_shared>>
      tpu.wait_indirect_dma semaphore(%run_scoped3A_178 : memref<!tpu.dma_semaphore, #tpu.memory_space<semaphore_mem>>) src(%dma_wait3A_192 : memref<128x64xf32, #tpu.memory_space<vmem>>) dst(%dma_wait3A_198 : memref<10112x64xf32, #tpu.memory_space<vmem_shared>>)
      tpu.yield
    }) : () -> ()
    %barrier3A_82 = arith.constant 0 : index
    tpu.barrier barrier_id(%barrier3A_82)
    %mul3A_83 = arith.constant 632 : i32
    %mul3A_84 = arith.muli %arg1, %mul3A_83 : i32
    %mul3A_85 = arith.constant 632 : i32
    %mul3A_86 = arith.muli %arg1, %mul3A_85 : i32
    %run_scoped3A_87 = arith.constant 0 : i32
    "tpu.region"() ({
      %run_scoped3A_178 = tpu.sem_alloc : memref<!tpu.dma_semaphore, #tpu.memory_space<semaphore_mem>>
      %dma_start3A_179 = arith.constant 0 : i32
      %dma_start3A_180 = tpu.memref_slice %arg5[%arg0, %run_scoped3A_87, %mul3A_86, %dma_start3A_179] : memref<2x2x10112x64xf32, #tpu.memory_space<hbm>> -> memref<1x1x632x64xf32, #tpu.memory_space<hbm>>
      %dma_start3A_181 = tpu.memref_squeeze %dma_start3A_180 : memref<1x1x632x64xf32, #tpu.memory_space<hbm>> -> memref<632x64xf32, #tpu.memory_space<hbm>>
      %dma_start3A_182 = arith.constant 0 : i32
      %dma_start3A_183 = tpu.memref_slice %arg9[%mul3A_84, %dma_start3A_182] : memref<10112x64xf32, #tpu.memory_space<vmem_shared>> -> memref<632x64xf32, #tpu.memory_space<vmem_shared>>
      tpu.enqueue_dma source(%dma_start3A_183 : memref<632x64xf32, #tpu.memory_space<vmem_shared>>) target(%dma_start3A_181 : memref<632x64xf32, #tpu.memory_space<hbm>>) target_semaphore(%run_scoped3A_178 : memref<!tpu.dma_semaphore, #tpu.memory_space<semaphore_mem>>)
      %dma_wait3A_184 = arith.constant 0 : i32
      %dma_wait3A_185 = tpu.memref_slice %arg5[%arg0, %run_scoped3A_87, %mul3A_86, %dma_wait3A_184] : memref<2x2x10112x64xf32, #tpu.memory_space<hbm>> -> memref<1x1x632x64xf32, #tpu.memory_space<hbm>>
      %dma_wait3A_186 = tpu.memref_squeeze %dma_wait3A_185 : memref<1x1x632x64xf32, #tpu.memory_space<hbm>> -> memref<632x64xf32, #tpu.memory_space<hbm>>
      %dma_wait3A_187 = arith.constant 0 : i32
      %dma_wait3A_188 = tpu.memref_slice %arg9[%mul3A_84, %dma_wait3A_187] : memref<10112x64xf32, #tpu.memory_space<vmem_shared>> -> memref<632x64xf32, #tpu.memory_space<vmem_shared>>
      tpu.wait_dma2 semaphore(%run_scoped3A_178 : memref<!tpu.dma_semaphore, #tpu.memory_space<semaphore_mem>>) src(%dma_wait3A_188 : memref<632x64xf32, #tpu.memory_space<vmem_shared>>) dst(%dma_wait3A_186 : memref<632x64xf32, #tpu.memory_space<hbm>>)
      tpu.yield
    }) : () -> ()
    %mul3A_88 = arith.constant 632 : i32
    %mul3A_89 = arith.muli %arg1, %mul3A_88 : i32
    %mul3A_90 = arith.constant 632 : i32
    %mul3A_91 = arith.muli %arg1, %mul3A_90 : i32
    "tpu.region"() ({
      %run_scoped3A_178 = tpu.sem_alloc : memref<!tpu.dma_semaphore, #tpu.memory_space<semaphore_mem>>
      %dma_start3A_179 = arith.constant 0 : i32
      %dma_start3A_180 = tpu.memref_slice %arg9[%mul3A_91, %dma_start3A_179] : memref<10112x64xf32, #tpu.memory_space<vmem_shared>> -> memref<632x64xf32, #tpu.memory_space<vmem_shared>>
      %dma_start3A_181 = arith.constant 0 : i32
      %dma_start3A_182 = tpu.memref_slice %arg4[%mul3A_89, %dma_start3A_181] : memref<10112x64xf32, #tpu.memory_space<hbm>> -> memref<632x64xf32, #tpu.memory_space<hbm>>
      tpu.enqueue_dma source(%dma_start3A_182 : memref<632x64xf32, #tpu.memory_space<hbm>>) target(%dma_start3A_180 : memref<632x64xf32, #tpu.memory_space<vmem_shared>>) target_semaphore(%run_scoped3A_178 : memref<!tpu.dma_semaphore, #tpu.memory_space<semaphore_mem>>)
      %dma_wait3A_183 = arith.constant 0 : i32
      %dma_wait3A_184 = tpu.memref_slice %arg9[%mul3A_91, %dma_wait3A_183] : memref<10112x64xf32, #tpu.memory_space<vmem_shared>> -> memref<632x64xf32, #tpu.memory_space<vmem_shared>>
      %dma_wait3A_185 = arith.constant 0 : i32
      %dma_wait3A_186 = tpu.memref_slice %arg4[%mul3A_89, %dma_wait3A_185] : memref<10112x64xf32, #tpu.memory_space<hbm>> -> memref<632x64xf32, #tpu.memory_space<hbm>>
      tpu.wait_dma2 semaphore(%run_scoped3A_178 : memref<!tpu.dma_semaphore, #tpu.memory_space<semaphore_mem>>) src(%dma_wait3A_186 : memref<632x64xf32, #tpu.memory_space<hbm>>) dst(%dma_wait3A_184 : memref<632x64xf32, #tpu.memory_space<vmem_shared>>)
      tpu.yield
    }) : () -> ()
    %barrier3A_92 = arith.constant 0 : index
    tpu.barrier barrier_id(%barrier3A_92)
    %dma_start3A_93 = arith.constant 1 : i32
    %dma_start3A_94 = arith.constant 0 : i32
    %dma_start3A_95 = arith.constant 0 : i32
    %dma_start3A_96 = arith.constant 0 : i32
    %dma_start3A_97 = arith.constant 0 : i32
    %dma_start3A_98 = tpu.memref_slice %arg8[%dma_start3A_95, %dma_start3A_96, %dma_start3A_97] : memref<2x128x64xf32, #tpu.memory_space<vmem>> -> memref<1x128x64xf32, #tpu.memory_space<vmem>>
    %dma_start3A_99 = tpu.memref_squeeze %dma_start3A_98 : memref<1x128x64xf32, #tpu.memory_space<vmem>> -> memref<128x64xf32, #tpu.memory_space<vmem>>
    %dma_start3A_100 = arith.constant 0 : i32
    %dma_start3A_101 = tpu.memref_slice %arg6[%dma_start3A_94, %dma_start3A_100] : memref<82x128xi32, #tpu.memory_space<vmem>> -> memref<1x128xi32, #tpu.memory_space<vmem>>
    %dma_start3A_102 = tpu.memref_squeeze %dma_start3A_101 : memref<1x128xi32, #tpu.memory_space<vmem>> -> memref<128xi32, #tpu.memory_space<vmem>>
    %dma_start3A_103 = arith.constant 0 : i32
    %dma_start3A_104 = arith.constant 0 : i32
    %dma_start3A_105 = tpu.memref_slice %arg2[%dma_start3A_93, %dma_start3A_103, %dma_start3A_104] : memref<2x10000x64xf32, #tpu.memory_space<hbm>> -> memref<1x10000x64xf32, #tpu.memory_space<hbm>>
    %dma_start3A_106 = tpu.memref_squeeze %dma_start3A_105 : memref<1x10000x64xf32, #tpu.memory_space<hbm>> -> memref<10000x64xf32, #tpu.memory_space<hbm>>
    %dma_start3A_107 = arith.constant 0 : i32
    %dma_start3A_108 = arith.constant 0 : i32
    %dma_start3A_109 = tpu.memref_slice %dma_start3A_106[%dma_start3A_107, %dma_start3A_108] : memref<10000x64xf32, #tpu.memory_space<hbm>> -> memref<10000x64xf32, #tpu.memory_space<hbm>>
    tpu.enqueue_indirect_dma source(%dma_start3A_109 : memref<10000x64xf32, #tpu.memory_space<hbm>>) target(%dma_start3A_99 : memref<128x64xf32, #tpu.memory_space<vmem>>) offsets(%dma_start3A_102 : memref<128xi32, #tpu.memory_space<vmem>>) semaphore(%arg10 : memref<!tpu.dma_semaphore, #tpu.memory_space<semaphore_mem>>)
    %dma_start3A_110 = arith.constant 1 : i32
    %dma_start3A_111 = arith.constant 1 : i32
    %dma_start3A_112 = arith.constant 1 : i32
    %dma_start3A_113 = arith.constant 0 : i32
    %dma_start3A_114 = arith.constant 0 : i32
    %dma_start3A_115 = tpu.memref_slice %arg8[%dma_start3A_112, %dma_start3A_113, %dma_start3A_114] : memref<2x128x64xf32, #tpu.memory_space<vmem>> -> memref<1x128x64xf32, #tpu.memory_space<vmem>>
    %dma_start3A_116 = tpu.memref_squeeze %dma_start3A_115 : memref<1x128x64xf32, #tpu.memory_space<vmem>> -> memref<128x64xf32, #tpu.memory_space<vmem>>
    %dma_start3A_117 = arith.constant 0 : i32
    %dma_start3A_118 = tpu.memref_slice %arg6[%dma_start3A_111, %dma_start3A_117] : memref<82x128xi32, #tpu.memory_space<vmem>> -> memref<1x128xi32, #tpu.memory_space<vmem>>
    %dma_start3A_119 = tpu.memref_squeeze %dma_start3A_118 : memref<1x128xi32, #tpu.memory_space<vmem>> -> memref<128xi32, #tpu.memory_space<vmem>>
    %dma_start3A_120 = arith.constant 0 : i32
    %dma_start3A_121 = arith.constant 0 : i32
    %dma_start3A_122 = tpu.memref_slice %arg2[%dma_start3A_110, %dma_start3A_120, %dma_start3A_121] : memref<2x10000x64xf32, #tpu.memory_space<hbm>> -> memref<1x10000x64xf32, #tpu.memory_space<hbm>>
    %dma_start3A_123 = tpu.memref_squeeze %dma_start3A_122 : memref<1x10000x64xf32, #tpu.memory_space<hbm>> -> memref<10000x64xf32, #tpu.memory_space<hbm>>
    %dma_start3A_124 = arith.constant 0 : i32
    %dma_start3A_125 = arith.constant 0 : i32
    %dma_start3A_126 = tpu.memref_slice %dma_start3A_123[%dma_start3A_124, %dma_start3A_125] : memref<10000x64xf32, #tpu.memory_space<hbm>> -> memref<10000x64xf32, #tpu.memory_space<hbm>>
    tpu.enqueue_indirect_dma source(%dma_start3A_126 : memref<10000x64xf32, #tpu.memory_space<hbm>>) target(%dma_start3A_116 : memref<128x64xf32, #tpu.memory_space<vmem>>) offsets(%dma_start3A_119 : memref<128xi32, #tpu.memory_space<vmem>>) semaphore(%arg11 : memref<!tpu.dma_semaphore, #tpu.memory_space<semaphore_mem>>)
    %scan3A_127 = arith.constant 0 : i32
    %scan3A_128 = arith.constant 1 : i32
    %scan3A_129 = arith.constant 0 : i32
    %scan3A_130 = arith.constant 40 : i32
    %scan3A_131 = arith.addi %scan3A_129, %scan3A_130 : i32
    %scan3A_132 = arith.constant 1 : i32
    scf.for %scan3A_178 = %scan3A_129 to %scan3A_131 step %scan3A_132  : i32 {
      %mul3A_179 = arith.constant 2 : i32
      %mul3A_180 = arith.muli %mul3A_179, %scan3A_178 : i32
      %add3A_181 = arith.constant 0 : i32
      %add3A_182 = arith.addi %mul3A_180, %add3A_181 : i32
      %dma_wait3A_183 = arith.constant 0 : i32
      %dma_wait3A_184 = arith.constant 0 : i32
      %dma_wait3A_185 = arith.constant 0 : i32
      %dma_wait3A_186 = tpu.memref_slice %arg8[%dma_wait3A_183, %dma_wait3A_184, %dma_wait3A_185] : memref<2x128x64xf32, #tpu.memory_space<vmem>> -> memref<1x128x64xf32, #tpu.memory_space<vmem>>
      %dma_wait3A_187 = tpu.memref_squeeze %dma_wait3A_186 : memref<1x128x64xf32, #tpu.memory_space<vmem>> -> memref<128x64xf32, #tpu.memory_space<vmem>>
      %dma_wait3A_188 = arith.constant 0 : i32
      %dma_wait3A_189 = tpu.memref_slice %arg6[%add3A_182, %dma_wait3A_188] : memref<82x128xi32, #tpu.memory_space<vmem>> -> memref<1x128xi32, #tpu.memory_space<vmem>>
      %dma_wait3A_190 = tpu.memref_squeeze %dma_wait3A_189 : memref<1x128xi32, #tpu.memory_space<vmem>> -> memref<128xi32, #tpu.memory_space<vmem>>
      %dma_wait3A_191 = arith.constant 0 : i32
      %dma_wait3A_192 = arith.constant 0 : i32
      %dma_wait3A_193 = tpu.memref_slice %arg2[%scan3A_128, %dma_wait3A_191, %dma_wait3A_192] : memref<2x10000x64xf32, #tpu.memory_space<hbm>> -> memref<1x10000x64xf32, #tpu.memory_space<hbm>>
      %dma_wait3A_194 = tpu.memref_squeeze %dma_wait3A_193 : memref<1x10000x64xf32, #tpu.memory_space<hbm>> -> memref<10000x64xf32, #tpu.memory_space<hbm>>
      %dma_wait3A_195 = arith.constant 0 : i32
      %dma_wait3A_196 = arith.constant 0 : i32
      %dma_wait3A_197 = tpu.memref_slice %dma_wait3A_194[%dma_wait3A_195, %dma_wait3A_196] : memref<10000x64xf32, #tpu.memory_space<hbm>> -> memref<10000x64xf32, #tpu.memory_space<hbm>>
      tpu.wait_indirect_dma semaphore(%arg10 : memref<!tpu.dma_semaphore, #tpu.memory_space<semaphore_mem>>) src(%dma_wait3A_197 : memref<10000x64xf32, #tpu.memory_space<hbm>>) dst(%dma_wait3A_187 : memref<128x64xf32, #tpu.memory_space<vmem>>)
      %run_scoped3A_198 = arith.constant 0 : i32
      "tpu.region"() ({
        %run_scoped3A_253 = tpu.sem_alloc : memref<!tpu.dma_semaphore, #tpu.memory_space<semaphore_mem>>
        %dma_start3A_254 = arith.constant 0 : i32
        %dma_start3A_255 = arith.constant 0 : i32
        %dma_start3A_256 = tpu.memref_slice %arg8[%run_scoped3A_198, %dma_start3A_254, %dma_start3A_255] : memref<2x128x64xf32, #tpu.memory_space<vmem>> -> memref<1x128x64xf32, #tpu.memory_space<vmem>>
        %dma_start3A_257 = tpu.memref_squeeze %dma_start3A_256 : memref<1x128x64xf32, #tpu.memory_space<vmem>> -> memref<128x64xf32, #tpu.memory_space<vmem>>
        %dma_start3A_258 = arith.constant 0 : i32
        %dma_start3A_259 = tpu.memref_slice %arg7[%add3A_182, %dma_start3A_258] : memref<82x128xi32, #tpu.memory_space<vmem>> -> memref<1x128xi32, #tpu.memory_space<vmem>>
        %dma_start3A_260 = tpu.memref_squeeze %dma_start3A_259 : memref<1x128xi32, #tpu.memory_space<vmem>> -> memref<128xi32, #tpu.memory_space<vmem>>
        %dma_start3A_261 = arith.constant 0 : i32
        %dma_start3A_262 = arith.constant 0 : i32
        %dma_start3A_263 = tpu.memref_slice %arg9[%dma_start3A_261, %dma_start3A_262] : memref<10112x64xf32, #tpu.memory_space<vmem_shared>> -> memref<10112x64xf32, #tpu.memory_space<vmem_shared>>
        tpu.enqueue_indirect_dma source(%dma_start3A_257 : memref<128x64xf32, #tpu.memory_space<vmem>>) target(%dma_start3A_263 : memref<10112x64xf32, #tpu.memory_space<vmem_shared>>) offsets(%dma_start3A_260 : memref<128xi32, #tpu.memory_space<vmem>>) semaphore(%run_scoped3A_253 : memref<!tpu.dma_semaphore, #tpu.memory_space<semaphore_mem>>) {add = true}
        %dma_wait3A_264 = arith.constant 0 : i32
        %dma_wait3A_265 = arith.constant 0 : i32
        %dma_wait3A_266 = tpu.memref_slice %arg8[%run_scoped3A_198, %dma_wait3A_264, %dma_wait3A_265] : memref<2x128x64xf32, #tpu.memory_space<vmem>> -> memref<1x128x64xf32, #tpu.memory_space<vmem>>
        %dma_wait3A_267 = tpu.memref_squeeze %dma_wait3A_266 : memref<1x128x64xf32, #tpu.memory_space<vmem>> -> memref<128x64xf32, #tpu.memory_space<vmem>>
        %dma_wait3A_268 = arith.constant 0 : i32
        %dma_wait3A_269 = tpu.memref_slice %arg7[%add3A_182, %dma_wait3A_268] : memref<82x128xi32, #tpu.memory_space<vmem>> -> memref<1x128xi32, #tpu.memory_space<vmem>>
        %dma_wait3A_270 = tpu.memref_squeeze %dma_wait3A_269 : memref<1x128xi32, #tpu.memory_space<vmem>> -> memref<128xi32, #tpu.memory_space<vmem>>
        %dma_wait3A_271 = arith.constant 0 : i32
        %dma_wait3A_272 = arith.constant 0 : i32
        %dma_wait3A_273 = tpu.memref_slice %arg9[%dma_wait3A_271, %dma_wait3A_272] : memref<10112x64xf32, #tpu.memory_space<vmem_shared>> -> memref<10112x64xf32, #tpu.memory_space<vmem_shared>>
        tpu.wait_indirect_dma semaphore(%run_scoped3A_253 : memref<!tpu.dma_semaphore, #tpu.memory_space<semaphore_mem>>) src(%dma_wait3A_267 : memref<128x64xf32, #tpu.memory_space<vmem>>) dst(%dma_wait3A_273 : memref<10112x64xf32, #tpu.memory_space<vmem_shared>>)
        tpu.yield
      }) : () -> ()
      %add3A_199 = arith.constant 2 : i32
      %add3A_200 = arith.addi %add3A_182, %add3A_199 : i32
      %dma_start3A_201 = arith.constant 0 : i32
      %dma_start3A_202 = arith.constant 0 : i32
      %dma_start3A_203 = arith.constant 0 : i32
      %dma_start3A_204 = tpu.memref_slice %arg8[%dma_start3A_201, %dma_start3A_202, %dma_start3A_203] : memref<2x128x64xf32, #tpu.memory_space<vmem>> -> memref<1x128x64xf32, #tpu.memory_space<vmem>>
      %dma_start3A_205 = tpu.memref_squeeze %dma_start3A_204 : memref<1x128x64xf32, #tpu.memory_space<vmem>> -> memref<128x64xf32, #tpu.memory_space<vmem>>
      %dma_start3A_206 = arith.constant 0 : i32
      %dma_start3A_207 = tpu.memref_slice %arg6[%add3A_200, %dma_start3A_206] : memref<82x128xi32, #tpu.memory_space<vmem>> -> memref<1x128xi32, #tpu.memory_space<vmem>>
      %dma_start3A_208 = tpu.memref_squeeze %dma_start3A_207 : memref<1x128xi32, #tpu.memory_space<vmem>> -> memref<128xi32, #tpu.memory_space<vmem>>
      %dma_start3A_209 = arith.constant 0 : i32
      %dma_start3A_210 = arith.constant 0 : i32
      %dma_start3A_211 = tpu.memref_slice %arg2[%scan3A_128, %dma_start3A_209, %dma_start3A_210] : memref<2x10000x64xf32, #tpu.memory_space<hbm>> -> memref<1x10000x64xf32, #tpu.memory_space<hbm>>
      %dma_start3A_212 = tpu.memref_squeeze %dma_start3A_211 : memref<1x10000x64xf32, #tpu.memory_space<hbm>> -> memref<10000x64xf32, #tpu.memory_space<hbm>>
      %dma_start3A_213 = arith.constant 0 : i32
      %dma_start3A_214 = arith.constant 0 : i32
      %dma_start3A_215 = tpu.memref_slice %dma_start3A_212[%dma_start3A_213, %dma_start3A_214] : memref<10000x64xf32, #tpu.memory_space<hbm>> -> memref<10000x64xf32, #tpu.memory_space<hbm>>
      tpu.enqueue_indirect_dma source(%dma_start3A_215 : memref<10000x64xf32, #tpu.memory_space<hbm>>) target(%dma_start3A_205 : memref<128x64xf32, #tpu.memory_space<vmem>>) offsets(%dma_start3A_208 : memref<128xi32, #tpu.memory_space<vmem>>) semaphore(%arg10 : memref<!tpu.dma_semaphore, #tpu.memory_space<semaphore_mem>>)
      %mul3A_216 = arith.constant 2 : i32
      %mul3A_217 = arith.muli %mul3A_216, %scan3A_178 : i32
      %add3A_218 = arith.constant 1 : i32
      %add3A_219 = arith.addi %mul3A_217, %add3A_218 : i32
      %dma_wait3A_220 = arith.constant 1 : i32
      %dma_wait3A_221 = arith.constant 0 : i32
      %dma_wait3A_222 = arith.constant 0 : i32
      %dma_wait3A_223 = tpu.memref_slice %arg8[%dma_wait3A_220, %dma_wait3A_221, %dma_wait3A_222] : memref<2x128x64xf32, #tpu.memory_space<vmem>> -> memref<1x128x64xf32, #tpu.memory_space<vmem>>
      %dma_wait3A_224 = tpu.memref_squeeze %dma_wait3A_223 : memref<1x128x64xf32, #tpu.memory_space<vmem>> -> memref<128x64xf32, #tpu.memory_space<vmem>>
      %dma_wait3A_225 = arith.constant 0 : i32
      %dma_wait3A_226 = tpu.memref_slice %arg6[%add3A_219, %dma_wait3A_225] : memref<82x128xi32, #tpu.memory_space<vmem>> -> memref<1x128xi32, #tpu.memory_space<vmem>>
      %dma_wait3A_227 = tpu.memref_squeeze %dma_wait3A_226 : memref<1x128xi32, #tpu.memory_space<vmem>> -> memref<128xi32, #tpu.memory_space<vmem>>
      %dma_wait3A_228 = arith.constant 0 : i32
      %dma_wait3A_229 = arith.constant 0 : i32
      %dma_wait3A_230 = tpu.memref_slice %arg2[%scan3A_128, %dma_wait3A_228, %dma_wait3A_229] : memref<2x10000x64xf32, #tpu.memory_space<hbm>> -> memref<1x10000x64xf32, #tpu.memory_space<hbm>>
      %dma_wait3A_231 = tpu.memref_squeeze %dma_wait3A_230 : memref<1x10000x64xf32, #tpu.memory_space<hbm>> -> memref<10000x64xf32, #tpu.memory_space<hbm>>
      %dma_wait3A_232 = arith.constant 0 : i32
      %dma_wait3A_233 = arith.constant 0 : i32
      %dma_wait3A_234 = tpu.memref_slice %dma_wait3A_231[%dma_wait3A_232, %dma_wait3A_233] : memref<10000x64xf32, #tpu.memory_space<hbm>> -> memref<10000x64xf32, #tpu.memory_space<hbm>>
      tpu.wait_indirect_dma semaphore(%arg11 : memref<!tpu.dma_semaphore, #tpu.memory_space<semaphore_mem>>) src(%dma_wait3A_234 : memref<10000x64xf32, #tpu.memory_space<hbm>>) dst(%dma_wait3A_224 : memref<128x64xf32, #tpu.memory_space<vmem>>)
      %run_scoped3A_235 = arith.constant 1 : i32
      "tpu.region"() ({
        %run_scoped3A_253 = tpu.sem_alloc : memref<!tpu.dma_semaphore, #tpu.memory_space<semaphore_mem>>
        %dma_start3A_254 = arith.constant 0 : i32
        %dma_start3A_255 = arith.constant 0 : i32
        %dma_start3A_256 = tpu.memref_slice %arg8[%run_scoped3A_235, %dma_start3A_254, %dma_start3A_255] : memref<2x128x64xf32, #tpu.memory_space<vmem>> -> memref<1x128x64xf32, #tpu.memory_space<vmem>>
        %dma_start3A_257 = tpu.memref_squeeze %dma_start3A_256 : memref<1x128x64xf32, #tpu.memory_space<vmem>> -> memref<128x64xf32, #tpu.memory_space<vmem>>
        %dma_start3A_258 = arith.constant 0 : i32
        %dma_start3A_259 = tpu.memref_slice %arg7[%add3A_219, %dma_start3A_258] : memref<82x128xi32, #tpu.memory_space<vmem>> -> memref<1x128xi32, #tpu.memory_space<vmem>>
        %dma_start3A_260 = tpu.memref_squeeze %dma_start3A_259 : memref<1x128xi32, #tpu.memory_space<vmem>> -> memref<128xi32, #tpu.memory_space<vmem>>
        %dma_start3A_261 = arith.constant 0 : i32
        %dma_start3A_262 = arith.constant 0 : i32
        %dma_start3A_263 = tpu.memref_slice %arg9[%dma_start3A_261, %dma_start3A_262] : memref<10112x64xf32, #tpu.memory_space<vmem_shared>> -> memref<10112x64xf32, #tpu.memory_space<vmem_shared>>
        tpu.enqueue_indirect_dma source(%dma_start3A_257 : memref<128x64xf32, #tpu.memory_space<vmem>>) target(%dma_start3A_263 : memref<10112x64xf32, #tpu.memory_space<vmem_shared>>) offsets(%dma_start3A_260 : memref<128xi32, #tpu.memory_space<vmem>>) semaphore(%run_scoped3A_253 : memref<!tpu.dma_semaphore, #tpu.memory_space<semaphore_mem>>) {add = true}
        %dma_wait3A_264 = arith.constant 0 : i32
        %dma_wait3A_265 = arith.constant 0 : i32
        %dma_wait3A_266 = tpu.memref_slice %arg8[%run_scoped3A_235, %dma_wait3A_264, %dma_wait3A_265] : memref<2x128x64xf32, #tpu.memory_space<vmem>> -> memref<1x128x64xf32, #tpu.memory_space<vmem>>
        %dma_wait3A_267 = tpu.memref_squeeze %dma_wait3A_266 : memref<1x128x64xf32, #tpu.memory_space<vmem>> -> memref<128x64xf32, #tpu.memory_space<vmem>>
        %dma_wait3A_268 = arith.constant 0 : i32
        %dma_wait3A_269 = tpu.memref_slice %arg7[%add3A_219, %dma_wait3A_268] : memref<82x128xi32, #tpu.memory_space<vmem>> -> memref<1x128xi32, #tpu.memory_space<vmem>>
        %dma_wait3A_270 = tpu.memref_squeeze %dma_wait3A_269 : memref<1x128xi32, #tpu.memory_space<vmem>> -> memref<128xi32, #tpu.memory_space<vmem>>
        %dma_wait3A_271 = arith.constant 0 : i32
        %dma_wait3A_272 = arith.constant 0 : i32
        %dma_wait3A_273 = tpu.memref_slice %arg9[%dma_wait3A_271, %dma_wait3A_272] : memref<10112x64xf32, #tpu.memory_space<vmem_shared>> -> memref<10112x64xf32, #tpu.memory_space<vmem_shared>>
        tpu.wait_indirect_dma semaphore(%run_scoped3A_253 : memref<!tpu.dma_semaphore, #tpu.memory_space<semaphore_mem>>) src(%dma_wait3A_267 : memref<128x64xf32, #tpu.memory_space<vmem>>) dst(%dma_wait3A_273 : memref<10112x64xf32, #tpu.memory_space<vmem_shared>>)
        tpu.yield
      }) : () -> ()
      %add3A_236 = arith.constant 2 : i32
      %add3A_237 = arith.addi %add3A_219, %add3A_236 : i32
      %dma_start3A_238 = arith.constant 1 : i32
      %dma_start3A_239 = arith.constant 0 : i32
      %dma_start3A_240 = arith.constant 0 : i32
      %dma_start3A_241 = tpu.memref_slice %arg8[%dma_start3A_238, %dma_start3A_239, %dma_start3A_240] : memref<2x128x64xf32, #tpu.memory_space<vmem>> -> memref<1x128x64xf32, #tpu.memory_space<vmem>>
      %dma_start3A_242 = tpu.memref_squeeze %dma_start3A_241 : memref<1x128x64xf32, #tpu.memory_space<vmem>> -> memref<128x64xf32, #tpu.memory_space<vmem>>
      %dma_start3A_243 = arith.constant 0 : i32
      %dma_start3A_244 = tpu.memref_slice %arg6[%add3A_237, %dma_start3A_243] : memref<82x128xi32, #tpu.memory_space<vmem>> -> memref<1x128xi32, #tpu.memory_space<vmem>>
      %dma_start3A_245 = tpu.memref_squeeze %dma_start3A_244 : memref<1x128xi32, #tpu.memory_space<vmem>> -> memref<128xi32, #tpu.memory_space<vmem>>
      %dma_start3A_246 = arith.constant 0 : i32
      %dma_start3A_247 = arith.constant 0 : i32
      %dma_start3A_248 = tpu.memref_slice %arg2[%scan3A_128, %dma_start3A_246, %dma_start3A_247] : memref<2x10000x64xf32, #tpu.memory_space<hbm>> -> memref<1x10000x64xf32, #tpu.memory_space<hbm>>
      %dma_start3A_249 = tpu.memref_squeeze %dma_start3A_248 : memref<1x10000x64xf32, #tpu.memory_space<hbm>> -> memref<10000x64xf32, #tpu.memory_space<hbm>>
      %dma_start3A_250 = arith.constant 0 : i32
      %dma_start3A_251 = arith.constant 0 : i32
      %dma_start3A_252 = tpu.memref_slice %dma_start3A_249[%dma_start3A_250, %dma_start3A_251] : memref<10000x64xf32, #tpu.memory_space<hbm>> -> memref<10000x64xf32, #tpu.memory_space<hbm>>
      tpu.enqueue_indirect_dma source(%dma_start3A_252 : memref<10000x64xf32, #tpu.memory_space<hbm>>) target(%dma_start3A_242 : memref<128x64xf32, #tpu.memory_space<vmem>>) offsets(%dma_start3A_245 : memref<128xi32, #tpu.memory_space<vmem>>) semaphore(%arg11 : memref<!tpu.dma_semaphore, #tpu.memory_space<semaphore_mem>>)
    }
    %scan3A_133 = arith.constant 40 : i32
    %dma_wait3A_134 = arith.constant 1 : i32
    %dma_wait3A_135 = arith.constant 80 : i32
    %dma_wait3A_136 = arith.constant 0 : i32
    %dma_wait3A_137 = arith.constant 0 : i32
    %dma_wait3A_138 = arith.constant 0 : i32
    %dma_wait3A_139 = tpu.memref_slice %arg8[%dma_wait3A_136, %dma_wait3A_137, %dma_wait3A_138] : memref<2x128x64xf32, #tpu.memory_space<vmem>> -> memref<1x128x64xf32, #tpu.memory_space<vmem>>
    %dma_wait3A_140 = tpu.memref_squeeze %dma_wait3A_139 : memref<1x128x64xf32, #tpu.memory_space<vmem>> -> memref<128x64xf32, #tpu.memory_space<vmem>>
    %dma_wait3A_141 = arith.constant 0 : i32
    %dma_wait3A_142 = tpu.memref_slice %arg6[%dma_wait3A_135, %dma_wait3A_141] : memref<82x128xi32, #tpu.memory_space<vmem>> -> memref<1x128xi32, #tpu.memory_space<vmem>>
    %dma_wait3A_143 = tpu.memref_squeeze %dma_wait3A_142 : memref<1x128xi32, #tpu.memory_space<vmem>> -> memref<128xi32, #tpu.memory_space<vmem>>
    %dma_wait3A_144 = arith.constant 0 : i32
    %dma_wait3A_145 = arith.constant 0 : i32
    %dma_wait3A_146 = tpu.memref_slice %arg2[%dma_wait3A_134, %dma_wait3A_144, %dma_wait3A_145] : memref<2x10000x64xf32, #tpu.memory_space<hbm>> -> memref<1x10000x64xf32, #tpu.memory_space<hbm>>
    %dma_wait3A_147 = tpu.memref_squeeze %dma_wait3A_146 : memref<1x10000x64xf32, #tpu.memory_space<hbm>> -> memref<10000x64xf32, #tpu.memory_space<hbm>>
    %dma_wait3A_148 = arith.constant 0 : i32
    %dma_wait3A_149 = arith.constant 0 : i32
    %dma_wait3A_150 = tpu.memref_slice %dma_wait3A_147[%dma_wait3A_148, %dma_wait3A_149] : memref<10000x64xf32, #tpu.memory_space<hbm>> -> memref<10000x64xf32, #tpu.memory_space<hbm>>
    tpu.wait_indirect_dma semaphore(%arg10 : memref<!tpu.dma_semaphore, #tpu.memory_space<semaphore_mem>>) src(%dma_wait3A_150 : memref<10000x64xf32, #tpu.memory_space<hbm>>) dst(%dma_wait3A_140 : memref<128x64xf32, #tpu.memory_space<vmem>>)
    %run_scoped3A_151 = arith.constant 0 : i32
    %run_scoped3A_152 = arith.constant 80 : i32
    "tpu.region"() ({
      %run_scoped3A_178 = tpu.sem_alloc : memref<!tpu.dma_semaphore, #tpu.memory_space<semaphore_mem>>
      %dma_start3A_179 = arith.constant 0 : i32
      %dma_start3A_180 = arith.constant 0 : i32
      %dma_start3A_181 = tpu.memref_slice %arg8[%run_scoped3A_151, %dma_start3A_179, %dma_start3A_180] : memref<2x128x64xf32, #tpu.memory_space<vmem>> -> memref<1x128x64xf32, #tpu.memory_space<vmem>>
      %dma_start3A_182 = tpu.memref_squeeze %dma_start3A_181 : memref<1x128x64xf32, #tpu.memory_space<vmem>> -> memref<128x64xf32, #tpu.memory_space<vmem>>
      %dma_start3A_183 = arith.constant 0 : i32
      %dma_start3A_184 = tpu.memref_slice %arg7[%run_scoped3A_152, %dma_start3A_183] : memref<82x128xi32, #tpu.memory_space<vmem>> -> memref<1x128xi32, #tpu.memory_space<vmem>>
      %dma_start3A_185 = tpu.memref_squeeze %dma_start3A_184 : memref<1x128xi32, #tpu.memory_space<vmem>> -> memref<128xi32, #tpu.memory_space<vmem>>
      %dma_start3A_186 = arith.constant 0 : i32
      %dma_start3A_187 = arith.constant 0 : i32
      %dma_start3A_188 = tpu.memref_slice %arg9[%dma_start3A_186, %dma_start3A_187] : memref<10112x64xf32, #tpu.memory_space<vmem_shared>> -> memref<10112x64xf32, #tpu.memory_space<vmem_shared>>
      tpu.enqueue_indirect_dma source(%dma_start3A_182 : memref<128x64xf32, #tpu.memory_space<vmem>>) target(%dma_start3A_188 : memref<10112x64xf32, #tpu.memory_space<vmem_shared>>) offsets(%dma_start3A_185 : memref<128xi32, #tpu.memory_space<vmem>>) semaphore(%run_scoped3A_178 : memref<!tpu.dma_semaphore, #tpu.memory_space<semaphore_mem>>) {add = true}
      %dma_wait3A_189 = arith.constant 0 : i32
      %dma_wait3A_190 = arith.constant 0 : i32
      %dma_wait3A_191 = tpu.memref_slice %arg8[%run_scoped3A_151, %dma_wait3A_189, %dma_wait3A_190] : memref<2x128x64xf32, #tpu.memory_space<vmem>> -> memref<1x128x64xf32, #tpu.memory_space<vmem>>
      %dma_wait3A_192 = tpu.memref_squeeze %dma_wait3A_191 : memref<1x128x64xf32, #tpu.memory_space<vmem>> -> memref<128x64xf32, #tpu.memory_space<vmem>>
      %dma_wait3A_193 = arith.constant 0 : i32
      %dma_wait3A_194 = tpu.memref_slice %arg7[%run_scoped3A_152, %dma_wait3A_193] : memref<82x128xi32, #tpu.memory_space<vmem>> -> memref<1x128xi32, #tpu.memory_space<vmem>>
      %dma_wait3A_195 = tpu.memref_squeeze %dma_wait3A_194 : memref<1x128xi32, #tpu.memory_space<vmem>> -> memref<128xi32, #tpu.memory_space<vmem>>
      %dma_wait3A_196 = arith.constant 0 : i32
      %dma_wait3A_197 = arith.constant 0 : i32
      %dma_wait3A_198 = tpu.memref_slice %arg9[%dma_wait3A_196, %dma_wait3A_197] : memref<10112x64xf32, #tpu.memory_space<vmem_shared>> -> memref<10112x64xf32, #tpu.memory_space<vmem_shared>>
      tpu.wait_indirect_dma semaphore(%run_scoped3A_178 : memref<!tpu.dma_semaphore, #tpu.memory_space<semaphore_mem>>) src(%dma_wait3A_192 : memref<128x64xf32, #tpu.memory_space<vmem>>) dst(%dma_wait3A_198 : memref<10112x64xf32, #tpu.memory_space<vmem_shared>>)
      tpu.yield
    }) : () -> ()
    %dma_wait3A_153 = arith.constant 1 : i32
    %dma_wait3A_154 = arith.constant 81 : i32
    %dma_wait3A_155 = arith.constant 1 : i32
    %dma_wait3A_156 = arith.constant 0 : i32
    %dma_wait3A_157 = arith.constant 0 : i32
    %dma_wait3A_158 = tpu.memref_slice %arg8[%dma_wait3A_155, %dma_wait3A_156, %dma_wait3A_157] : memref<2x128x64xf32, #tpu.memory_space<vmem>> -> memref<1x128x64xf32, #tpu.memory_space<vmem>>
    %dma_wait3A_159 = tpu.memref_squeeze %dma_wait3A_158 : memref<1x128x64xf32, #tpu.memory_space<vmem>> -> memref<128x64xf32, #tpu.memory_space<vmem>>
    %dma_wait3A_160 = arith.constant 0 : i32
    %dma_wait3A_161 = tpu.memref_slice %arg6[%dma_wait3A_154, %dma_wait3A_160] : memref<82x128xi32, #tpu.memory_space<vmem>> -> memref<1x128xi32, #tpu.memory_space<vmem>>
    %dma_wait3A_162 = tpu.memref_squeeze %dma_wait3A_161 : memref<1x128xi32, #tpu.memory_space<vmem>> -> memref<128xi32, #tpu.memory_space<vmem>>
    %dma_wait3A_163 = arith.constant 0 : i32
    %dma_wait3A_164 = arith.constant 0 : i32
    %dma_wait3A_165 = tpu.memref_slice %arg2[%dma_wait3A_153, %dma_wait3A_163, %dma_wait3A_164] : memref<2x10000x64xf32, #tpu.memory_space<hbm>> -> memref<1x10000x64xf32, #tpu.memory_space<hbm>>
    %dma_wait3A_166 = tpu.memref_squeeze %dma_wait3A_165 : memref<1x10000x64xf32, #tpu.memory_space<hbm>> -> memref<10000x64xf32, #tpu.memory_space<hbm>>
    %dma_wait3A_167 = arith.constant 0 : i32
    %dma_wait3A_168 = arith.constant 0 : i32
    %dma_wait3A_169 = tpu.memref_slice %dma_wait3A_166[%dma_wait3A_167, %dma_wait3A_168] : memref<10000x64xf32, #tpu.memory_space<hbm>> -> memref<10000x64xf32, #tpu.memory_space<hbm>>
    tpu.wait_indirect_dma semaphore(%arg11 : memref<!tpu.dma_semaphore, #tpu.memory_space<semaphore_mem>>) src(%dma_wait3A_169 : memref<10000x64xf32, #tpu.memory_space<hbm>>) dst(%dma_wait3A_159 : memref<128x64xf32, #tpu.memory_space<vmem>>)
    %run_scoped3A_170 = arith.constant 1 : i32
    %run_scoped3A_171 = arith.constant 81 : i32
    "tpu.region"() ({
      %run_scoped3A_178 = tpu.sem_alloc : memref<!tpu.dma_semaphore, #tpu.memory_space<semaphore_mem>>
      %dma_start3A_179 = arith.constant 0 : i32
      %dma_start3A_180 = arith.constant 0 : i32
      %dma_start3A_181 = tpu.memref_slice %arg8[%run_scoped3A_170, %dma_start3A_179, %dma_start3A_180] : memref<2x128x64xf32, #tpu.memory_space<vmem>> -> memref<1x128x64xf32, #tpu.memory_space<vmem>>
      %dma_start3A_182 = tpu.memref_squeeze %dma_start3A_181 : memref<1x128x64xf32, #tpu.memory_space<vmem>> -> memref<128x64xf32, #tpu.memory_space<vmem>>
      %dma_start3A_183 = arith.constant 0 : i32
      %dma_start3A_184 = tpu.memref_slice %arg7[%run_scoped3A_171, %dma_start3A_183] : memref<82x128xi32, #tpu.memory_space<vmem>> -> memref<1x128xi32, #tpu.memory_space<vmem>>
      %dma_start3A_185 = tpu.memref_squeeze %dma_start3A_184 : memref<1x128xi32, #tpu.memory_space<vmem>> -> memref<128xi32, #tpu.memory_space<vmem>>
      %dma_start3A_186 = arith.constant 0 : i32
      %dma_start3A_187 = arith.constant 0 : i32
      %dma_start3A_188 = tpu.memref_slice %arg9[%dma_start3A_186, %dma_start3A_187] : memref<10112x64xf32, #tpu.memory_space<vmem_shared>> -> memref<10112x64xf32, #tpu.memory_space<vmem_shared>>
      tpu.enqueue_indirect_dma source(%dma_start3A_182 : memref<128x64xf32, #tpu.memory_space<vmem>>) target(%dma_start3A_188 : memref<10112x64xf32, #tpu.memory_space<vmem_shared>>) offsets(%dma_start3A_185 : memref<128xi32, #tpu.memory_space<vmem>>) semaphore(%run_scoped3A_178 : memref<!tpu.dma_semaphore, #tpu.memory_space<semaphore_mem>>) {add = true}
      %dma_wait3A_189 = arith.constant 0 : i32
      %dma_wait3A_190 = arith.constant 0 : i32
      %dma_wait3A_191 = tpu.memref_slice %arg8[%run_scoped3A_170, %dma_wait3A_189, %dma_wait3A_190] : memref<2x128x64xf32, #tpu.memory_space<vmem>> -> memref<1x128x64xf32, #tpu.memory_space<vmem>>
      %dma_wait3A_192 = tpu.memref_squeeze %dma_wait3A_191 : memref<1x128x64xf32, #tpu.memory_space<vmem>> -> memref<128x64xf32, #tpu.memory_space<vmem>>
      %dma_wait3A_193 = arith.constant 0 : i32
      %dma_wait3A_194 = tpu.memref_slice %arg7[%run_scoped3A_171, %dma_wait3A_193] : memref<82x128xi32, #tpu.memory_space<vmem>> -> memref<1x128xi32, #tpu.memory_space<vmem>>
      %dma_wait3A_195 = tpu.memref_squeeze %dma_wait3A_194 : memref<1x128xi32, #tpu.memory_space<vmem>> -> memref<128xi32, #tpu.memory_space<vmem>>
      %dma_wait3A_196 = arith.constant 0 : i32
      %dma_wait3A_197 = arith.constant 0 : i32
      %dma_wait3A_198 = tpu.memref_slice %arg9[%dma_wait3A_196, %dma_wait3A_197] : memref<10112x64xf32, #tpu.memory_space<vmem_shared>> -> memref<10112x64xf32, #tpu.memory_space<vmem_shared>>
      tpu.wait_indirect_dma semaphore(%run_scoped3A_178 : memref<!tpu.dma_semaphore, #tpu.memory_space<semaphore_mem>>) src(%dma_wait3A_192 : memref<128x64xf32, #tpu.memory_space<vmem>>) dst(%dma_wait3A_198 : memref<10112x64xf32, #tpu.memory_space<vmem_shared>>)
      tpu.yield
    }) : () -> ()
    %barrier3A_172 = arith.constant 0 : index
    tpu.barrier barrier_id(%barrier3A_172)
    %mul3A_173 = arith.constant 632 : i32
    %mul3A_174 = arith.muli %arg1, %mul3A_173 : i32
    %mul3A_175 = arith.constant 632 : i32
    %mul3A_176 = arith.muli %arg1, %mul3A_175 : i32
    %run_scoped3A_177 = arith.constant 1 : i32
    "tpu.region"() ({
      %run_scoped3A_178 = tpu.sem_alloc : memref<!tpu.dma_semaphore, #tpu.memory_space<semaphore_mem>>
      %dma_start3A_179 = arith.constant 0 : i32
      %dma_start3A_180 = tpu.memref_slice %arg5[%arg0, %run_scoped3A_177, %mul3A_176, %dma_start3A_179] : memref<2x2x10112x64xf32, #tpu.memory_space<hbm>> -> memref<1x1x632x64xf32, #tpu.memory_space<hbm>>
      %dma_start3A_181 = tpu.memref_squeeze %dma_start3A_180 : memref<1x1x632x64xf32, #tpu.memory_space<hbm>> -> memref<632x64xf32, #tpu.memory_space<hbm>>
      %dma_start3A_182 = arith.constant 0 : i32
      %dma_start3A_183 = tpu.memref_slice %arg9[%mul3A_174, %dma_start3A_182] : memref<10112x64xf32, #tpu.memory_space<vmem_shared>> -> memref<632x64xf32, #tpu.memory_space<vmem_shared>>
      tpu.enqueue_dma source(%dma_start3A_183 : memref<632x64xf32, #tpu.memory_space<vmem_shared>>) target(%dma_start3A_181 : memref<632x64xf32, #tpu.memory_space<hbm>>) target_semaphore(%run_scoped3A_178 : memref<!tpu.dma_semaphore, #tpu.memory_space<semaphore_mem>>)
      %dma_wait3A_184 = arith.constant 0 : i32
      %dma_wait3A_185 = tpu.memref_slice %arg5[%arg0, %run_scoped3A_177, %mul3A_176, %dma_wait3A_184] : memref<2x2x10112x64xf32, #tpu.memory_space<hbm>> -> memref<1x1x632x64xf32, #tpu.memory_space<hbm>>
      %dma_wait3A_186 = tpu.memref_squeeze %dma_wait3A_185 : memref<1x1x632x64xf32, #tpu.memory_space<hbm>> -> memref<632x64xf32, #tpu.memory_space<hbm>>
      %dma_wait3A_187 = arith.constant 0 : i32
      %dma_wait3A_188 = tpu.memref_slice %arg9[%mul3A_174, %dma_wait3A_187] : memref<10112x64xf32, #tpu.memory_space<vmem_shared>> -> memref<632x64xf32, #tpu.memory_space<vmem_shared>>
      tpu.wait_dma2 semaphore(%run_scoped3A_178 : memref<!tpu.dma_semaphore, #tpu.memory_space<semaphore_mem>>) src(%dma_wait3A_188 : memref<632x64xf32, #tpu.memory_space<vmem_shared>>) dst(%dma_wait3A_186 : memref<632x64xf32, #tpu.memory_space<hbm>>)
      tpu.yield
    }) : () -> ()
    return
  }
}

module attributes {stable_mosaic.version = 14 : i64} {
  func.func @body(%arg0: memref<2x10112x16xf32, #tpu.memory_space<vmem>>, %arg1: memref<10000x128xf32, #tpu.memory_space<vmem>>, %arg2: memref<2x128x64xf32, #tpu.memory_space<vmem>>, %arg3: memref<10000x1xf32, #tpu.memory_space<vmem>>, %arg4: memref<2x10000x64xf32, #tpu.memory_space<vmem>>) attributes {dimension_semantics = [], scalar_prefetch = 0 : i64, scratch_operands = 0 : i64, tpu.core_type = #tpu.core_type<tc>} {
    %get3A = arith.constant 0 : index
    %get3A_0 = arith.constant 0 : index
    %get3A_1 = arith.constant 0 : index
    %get3A_2 = vector.load %arg0[%get3A, %get3A_0, %get3A_1] : memref<2x10112x16xf32, #tpu.memory_space<vmem>>, vector<1x10000x1xf32>
    %get3A_3 = vector.shape_cast %get3A_2 : vector<1x10000x1xf32> to vector<10000x1xf32>
    %get3A_4 = arith.constant 1 : index
    %get3A_5 = arith.constant 0 : index
    %get3A_6 = arith.constant 0 : index
    %get3A_7 = vector.load %arg0[%get3A_4, %get3A_5, %get3A_6] : memref<2x10112x16xf32, #tpu.memory_space<vmem>>, vector<1x10000x1xf32>
    %get3A_8 = vector.shape_cast %get3A_7 : vector<1x10000x1xf32> to vector<10000x1xf32>
    %add3A = arith.addf %get3A_3, %get3A_8 : vector<10000x1xf32>
    %max3A = arith.constant 1.000000e+00 : f32
    %max3A_9 = vector.broadcast %max3A : f32 to vector<10000x1xf32>
    %max3A_10 = arith.maximumf %add3A, %max3A_9 : vector<10000x1xf32>
    %rsqrt3A = math.rsqrt %max3A_10 : vector<10000x1xf32>
    %swap3A = arith.constant 0 : index
    %swap3A_11 = arith.constant 0 : index
    %swap3A_12 = vector.load %arg3[%swap3A, %swap3A_11] : memref<10000x1xf32, #tpu.memory_space<vmem>>, vector<10000x1xf32>
    tpu.vector_store %arg3[%swap3A, %swap3A_11], %rsqrt3A {strides = array<i32>} : memref<10000x1xf32, #tpu.memory_space<vmem>>, vector<10000x1xf32>,
    %get3A_13 = arith.constant 0 : index
    %get3A_14 = arith.constant 0 : index
    %get3A_15 = vector.load %arg1[%get3A_13, %get3A_14] : memref<10000x128xf32, #tpu.memory_space<vmem>>, vector<10000x128xf32>
    %mul3A = vector.broadcast %rsqrt3A : vector<10000x1xf32> to vector<10000x128xf32>
    %mul3A_16 = arith.mulf %get3A_15, %mul3A : vector<10000x128xf32>
    %get3A_17 = arith.constant 0 : index
    %get3A_18 = arith.constant 0 : index
    %get3A_19 = arith.constant 0 : index
    %get3A_20 = vector.load %arg2[%get3A_17, %get3A_18, %get3A_19] : memref<2x128x64xf32, #tpu.memory_space<vmem>>, vector<1x128x64xf32>
    %get3A_21 = vector.shape_cast %get3A_20 : vector<1x128x64xf32> to vector<128x64xf32>
    %dot_general3A = arith.constant dense<0.000000e+00> : vector<10000x64xf32>
    %dot_general3A_22 = tpu.matmul %mul3A_16, %get3A_21, %dot_general3A {dimension_numbers = #tpu.dot_dimension_numbers<[1], [0], [0], [1], [0, 0, 1, 1], [], []>, transpose_lhs_hint = false} : vector<10000x128xf32>, vector<128x64xf32>, vector<10000x64xf32> -> vector<10000x64xf32>
    %swap3A_23 = arith.constant 0 : index
    %swap3A_24 = arith.constant 0 : index
    %swap3A_25 = arith.constant 0 : index
    %swap3A_26 = vector.load %arg4[%swap3A_23, %swap3A_24, %swap3A_25] : memref<2x10000x64xf32, #tpu.memory_space<vmem>>, vector<1x10000x64xf32>
    %swap3A_27 = vector.shape_cast %swap3A_26 : vector<1x10000x64xf32> to vector<10000x64xf32>
    %swap3A_28 = vector.shape_cast %dot_general3A_22 : vector<10000x64xf32> to vector<1x10000x64xf32>
    tpu.vector_store %arg4[%swap3A_23, %swap3A_24, %swap3A_25], %swap3A_28 {strides = array<i32>} : memref<2x10000x64xf32, #tpu.memory_space<vmem>>, vector<1x10000x64xf32>,
    %get3A_29 = arith.constant 1 : index
    %get3A_30 = arith.constant 0 : index
    %get3A_31 = arith.constant 0 : index
    %get3A_32 = vector.load %arg2[%get3A_29, %get3A_30, %get3A_31] : memref<2x128x64xf32, #tpu.memory_space<vmem>>, vector<1x128x64xf32>
    %get3A_33 = vector.shape_cast %get3A_32 : vector<1x128x64xf32> to vector<128x64xf32>
    %dot_general3A_34 = arith.constant dense<0.000000e+00> : vector<10000x64xf32>
    %dot_general3A_35 = tpu.matmul %mul3A_16, %get3A_33, %dot_general3A_34 {dimension_numbers = #tpu.dot_dimension_numbers<[1], [0], [0], [1], [0, 0, 1, 1], [], []>, transpose_lhs_hint = false} : vector<10000x128xf32>, vector<128x64xf32>, vector<10000x64xf32> -> vector<10000x64xf32>
    %swap3A_36 = arith.constant 1 : index
    %swap3A_37 = arith.constant 0 : index
    %swap3A_38 = arith.constant 0 : index
    %swap3A_39 = vector.load %arg4[%swap3A_36, %swap3A_37, %swap3A_38] : memref<2x10000x64xf32, #tpu.memory_space<vmem>>, vector<1x10000x64xf32>
    %swap3A_40 = vector.shape_cast %swap3A_39 : vector<1x10000x64xf32> to vector<10000x64xf32>
    %swap3A_41 = vector.shape_cast %dot_general3A_35 : vector<10000x64xf32> to vector<1x10000x64xf32>
    tpu.vector_store %arg4[%swap3A_36, %swap3A_37, %swap3A_38], %swap3A_41 {strides = array<i32>} : memref<2x10000x64xf32, #tpu.memory_space<vmem>>, vector<1x10000x64xf32>,
    return
  }
}

module attributes {stable_mosaic.version = 14 : i64} {
  func.func @body(%arg0: memref<2x2x10112x64xf32, #tpu.memory_space<vmem>>, %arg1: memref<10000x1xf32, #tpu.memory_space<vmem>>, %arg2: memref<1x1xf32, #tpu.memory_space<vmem>>, %arg3: memref<1x128xf32, #tpu.memory_space<vmem>>, %arg4: memref<1x128xf32, #tpu.memory_space<vmem>>, %arg5: memref<1x128xf32, #tpu.memory_space<vmem>>, %arg6: memref<2x1x64xf32, #tpu.memory_space<vmem>>, %arg7: memref<10000x128xf32, #tpu.memory_space<vmem>>, %arg8: memref<2x128x64xf32, #tpu.memory_space<vmem>>, %arg9: memref<10000x128xf32, #tpu.memory_space<vmem>>, %arg10: memref<2x10000x64xf32, #tpu.memory_space<vmem>>) attributes {dimension_semantics = [], scalar_prefetch = 0 : i64, scratch_operands = 0 : i64, tpu.core_type = #tpu.core_type<tc>} {
    %get3A = arith.constant 0 : index
    %get3A_0 = arith.constant 0 : index
    %get3A_1 = arith.constant 0 : index
    %get3A_2 = arith.constant 0 : index
    %get3A_3 = vector.load %arg0[%get3A, %get3A_0, %get3A_1, %get3A_2] : memref<2x2x10112x64xf32, #tpu.memory_space<vmem>>, vector<1x1x10000x64xf32>
    %get3A_4 = vector.shape_cast %get3A_3 : vector<1x1x10000x64xf32> to vector<10000x64xf32>
    %get3A_5 = arith.constant 1 : index
    %get3A_6 = arith.constant 0 : index
    %get3A_7 = arith.constant 0 : index
    %get3A_8 = arith.constant 0 : index
    %get3A_9 = vector.load %arg0[%get3A_5, %get3A_6, %get3A_7, %get3A_8] : memref<2x2x10112x64xf32, #tpu.memory_space<vmem>>, vector<1x1x10000x64xf32>
    %get3A_10 = vector.shape_cast %get3A_9 : vector<1x1x10000x64xf32> to vector<10000x64xf32>
    %add3A = arith.addf %get3A_4, %get3A_10 : vector<10000x64xf32>
    %get3A_11 = arith.constant 0 : index
    %get3A_12 = arith.constant 1 : index
    %get3A_13 = arith.constant 0 : index
    %get3A_14 = arith.constant 0 : index
    %get3A_15 = vector.load %arg0[%get3A_11, %get3A_12, %get3A_13, %get3A_14] : memref<2x2x10112x64xf32, #tpu.memory_space<vmem>>, vector<1x1x10000x64xf32>
    %get3A_16 = vector.shape_cast %get3A_15 : vector<1x1x10000x64xf32> to vector<10000x64xf32>
    %get3A_17 = arith.constant 1 : index
    %get3A_18 = arith.constant 1 : index
    %get3A_19 = arith.constant 0 : index
    %get3A_20 = arith.constant 0 : index
    %get3A_21 = vector.load %arg0[%get3A_17, %get3A_18, %get3A_19, %get3A_20] : memref<2x2x10112x64xf32, #tpu.memory_space<vmem>>, vector<1x1x10000x64xf32>
    %get3A_22 = vector.shape_cast %get3A_21 : vector<1x1x10000x64xf32> to vector<10000x64xf32>
    %add3A_23 = arith.addf %get3A_16, %get3A_22 : vector<10000x64xf32>
    %concatenate3A = tpu.concatenate %add3A, %add3A_23 in 1 : vector<10000x64xf32>, vector<10000x64xf32> -> vector<10000x128xf32>
    %get3A_24 = arith.constant 0 : index
    %get3A_25 = arith.constant 0 : index
    %get3A_26 = vector.load %arg1[%get3A_24, %get3A_25] : memref<10000x1xf32, #tpu.memory_space<vmem>>, vector<10000x1xf32>
    %mul3A = vector.broadcast %get3A_26 : vector<10000x1xf32> to vector<10000x128xf32>
    %mul3A_27 = arith.mulf %concatenate3A, %mul3A : vector<10000x128xf32>
    %get3A_28 = arith.constant 0 : index
    %get3A_29 = arith.constant 0 : index
    %get3A_30 = vector.load %arg3[%get3A_28, %get3A_29] : memref<1x128xf32, #tpu.memory_space<vmem>>, vector<1x128xf32>
    %add3A_31 = vector.broadcast %get3A_30 : vector<1x128xf32> to vector<10000x128xf32>
    %add3A_32 = arith.addf %mul3A_27, %add3A_31 : vector<10000x128xf32>
    %reduce_sum3A = arith.constant dense<0.000000e+00> : vector<128xf32>
    %reduce_sum3A_33 = vector.multi_reduction <add>, %add3A_32, %reduce_sum3A [0] : vector<10000x128xf32> to vector<128xf32>
    %broadcast_in_dim3A = vector.shape_cast %reduce_sum3A_33 : vector<128xf32> to vector<1x128xf32>
    %div3A = arith.constant 1.000000e+04 : f32
    %div3A_34 = vector.broadcast %div3A : f32 to vector<1x128xf32>
    %div3A_35 = arith.divf %broadcast_in_dim3A, %div3A_34 : vector<1x128xf32>
    %sub3A = vector.broadcast %div3A_35 : vector<1x128xf32> to vector<10000x128xf32>
    %sub3A_36 = arith.subf %add3A_32, %sub3A : vector<10000x128xf32>
    %integer_pow3A = arith.mulf %sub3A_36, %sub3A_36 : vector<10000x128xf32>
    %reduce_sum3A_37 = arith.constant dense<0.000000e+00> : vector<128xf32>
    %reduce_sum3A_38 = vector.multi_reduction <add>, %integer_pow3A, %reduce_sum3A_37 [0] : vector<10000x128xf32> to vector<128xf32>
    %broadcast_in_dim3A_39 = vector.shape_cast %reduce_sum3A_38 : vector<128xf32> to vector<1x128xf32>
    %div3A_40 = arith.constant 1.000000e+04 : f32
    %div3A_41 = vector.broadcast %div3A_40 : f32 to vector<1x128xf32>
    %div3A_42 = arith.divf %broadcast_in_dim3A_39, %div3A_41 : vector<1x128xf32>
    %get3A_43 = arith.constant 0 : index
    %get3A_44 = arith.constant 0 : index
    %get3A_45 = vector.load %arg4[%get3A_43, %get3A_44] : memref<1x128xf32, #tpu.memory_space<vmem>>, vector<1x128xf32>
    %sub3A_46 = vector.broadcast %div3A_35 : vector<1x128xf32> to vector<10000x128xf32>
    %sub3A_47 = arith.subf %add3A_32, %sub3A_46 : vector<10000x128xf32>
    %mul3A_48 = vector.broadcast %get3A_45 : vector<1x128xf32> to vector<10000x128xf32>
    %mul3A_49 = arith.mulf %mul3A_48, %sub3A_47 : vector<10000x128xf32>
    %add3A_50 = arith.constant 9.99999974E-6 : f32
    %add3A_51 = vector.broadcast %add3A_50 : f32 to vector<1x128xf32>
    %add3A_52 = arith.addf %div3A_42, %add3A_51 : vector<1x128xf32>
    %sqrt3A = math.sqrt %add3A_52 : vector<1x128xf32>
    %div3A_53 = vector.broadcast %sqrt3A : vector<1x128xf32> to vector<10000x128xf32>
    %div3A_54 = arith.divf %mul3A_49, %div3A_53 : vector<10000x128xf32>
    %get3A_55 = arith.constant 0 : index
    %get3A_56 = arith.constant 0 : index
    %get3A_57 = vector.load %arg5[%get3A_55, %get3A_56] : memref<1x128xf32, #tpu.memory_space<vmem>>, vector<1x128xf32>
    %add3A_58 = vector.broadcast %get3A_57 : vector<1x128xf32> to vector<10000x128xf32>
    %add3A_59 = arith.addf %div3A_54, %add3A_58 : vector<10000x128xf32>
    %max3A = arith.constant 0.000000e+00 : f32
    %max3A_60 = vector.broadcast %max3A : f32 to vector<10000x128xf32>
    %max3A_61 = arith.maximumf %add3A_59, %max3A_60 : vector<10000x128xf32>
    %get3A_62 = arith.constant 0 : index
    %get3A_63 = arith.constant 0 : index
    %get3A_64 = vector.load %arg7[%get3A_62, %get3A_63] : memref<10000x128xf32, #tpu.memory_space<vmem>>, vector<10000x128xf32>
    %add3A_65 = arith.addf %max3A_61, %get3A_64 : vector<10000x128xf32>
    %swap3A = arith.constant 0 : index
    %swap3A_66 = arith.constant 0 : index
    %swap3A_67 = vector.load %arg9[%swap3A, %swap3A_66] : memref<10000x128xf32, #tpu.memory_space<vmem>>, vector<10000x128xf32>
    tpu.vector_store %arg9[%swap3A, %swap3A_66], %add3A_65 {strides = array<i32>} : memref<10000x128xf32, #tpu.memory_space<vmem>>, vector<10000x128xf32>,
    %get3A_68 = arith.constant 0 : index
    %get3A_69 = arith.constant 0 : index
    %get3A_70 = vector.load %arg2[%get3A_68, %get3A_69] : memref<1x1xf32, #tpu.memory_space<vmem>>, vector<1x1xf32>
    %get3A_71 = vector.extract %get3A_70[0, 0] : f32 from vector<1x1xf32>
    %get3A_72 = arith.constant 0 : index
    %get3A_73 = arith.constant 0 : index
    %get3A_74 = vector.load %arg1[%get3A_72, %get3A_73] : memref<10000x1xf32, #tpu.memory_space<vmem>>, vector<10000x1xf32>
    %mul3A_75 = vector.broadcast %get3A_71 : f32 to vector<10000x1xf32>
    %mul3A_76 = arith.mulf %get3A_74, %mul3A_75 : vector<10000x1xf32>
    %sub3A_77 = arith.constant 1.000000e+00 : f32
    %sub3A_78 = arith.subf %sub3A_77, %get3A_71 : f32
    %add3A_79 = vector.broadcast %sub3A_78 : f32 to vector<10000x1xf32>
    %add3A_80 = arith.addf %mul3A_76, %add3A_79 : vector<10000x1xf32>
    %mul3A_81 = vector.broadcast %add3A_80 : vector<10000x1xf32> to vector<10000x128xf32>
    %mul3A_82 = arith.mulf %add3A_65, %mul3A_81 : vector<10000x128xf32>
    %get3A_83 = arith.constant 0 : index
    %get3A_84 = arith.constant 0 : index
    %get3A_85 = arith.constant 0 : index
    %get3A_86 = vector.load %arg8[%get3A_83, %get3A_84, %get3A_85] : memref<2x128x64xf32, #tpu.memory_space<vmem>>, vector<1x128x64xf32>
    %get3A_87 = vector.shape_cast %get3A_86 : vector<1x128x64xf32> to vector<128x64xf32>
    %dot_general3A = arith.constant dense<0.000000e+00> : vector<10000x64xf32>
    %dot_general3A_88 = tpu.matmul %mul3A_82, %get3A_87, %dot_general3A {dimension_numbers = #tpu.dot_dimension_numbers<[1], [0], [0], [1], [0, 0, 1, 1], [], []>, transpose_lhs_hint = false} : vector<10000x128xf32>, vector<128x64xf32>, vector<10000x64xf32> -> vector<10000x64xf32>
    %get3A_89 = arith.constant 0 : index
    %get3A_90 = arith.constant 0 : index
    %get3A_91 = arith.constant 0 : index
    %get3A_92 = vector.load %arg6[%get3A_89, %get3A_90, %get3A_91] : memref<2x1x64xf32, #tpu.memory_space<vmem>>, vector<1x1x64xf32>
    %get3A_93 = vector.shape_cast %get3A_92 : vector<1x1x64xf32> to vector<1x64xf32>
    %add3A_94 = vector.broadcast %get3A_93 : vector<1x64xf32> to vector<10000x64xf32>
    %add3A_95 = arith.addf %dot_general3A_88, %add3A_94 : vector<10000x64xf32>
    %swap3A_96 = arith.constant 0 : index
    %swap3A_97 = arith.constant 0 : index
    %swap3A_98 = arith.constant 0 : index
    %swap3A_99 = vector.load %arg10[%swap3A_96, %swap3A_97, %swap3A_98] : memref<2x10000x64xf32, #tpu.memory_space<vmem>>, vector<1x10000x64xf32>
    %swap3A_100 = vector.shape_cast %swap3A_99 : vector<1x10000x64xf32> to vector<10000x64xf32>
    %swap3A_101 = vector.shape_cast %add3A_95 : vector<10000x64xf32> to vector<1x10000x64xf32>
    tpu.vector_store %arg10[%swap3A_96, %swap3A_97, %swap3A_98], %swap3A_101 {strides = array<i32>} : memref<2x10000x64xf32, #tpu.memory_space<vmem>>, vector<1x10000x64xf32>,
    %get3A_102 = arith.constant 1 : index
    %get3A_103 = arith.constant 0 : index
    %get3A_104 = arith.constant 0 : index
    %get3A_105 = vector.load %arg8[%get3A_102, %get3A_103, %get3A_104] : memref<2x128x64xf32, #tpu.memory_space<vmem>>, vector<1x128x64xf32>
    %get3A_106 = vector.shape_cast %get3A_105 : vector<1x128x64xf32> to vector<128x64xf32>
    %dot_general3A_107 = arith.constant dense<0.000000e+00> : vector<10000x64xf32>
    %dot_general3A_108 = tpu.matmul %mul3A_82, %get3A_106, %dot_general3A_107 {dimension_numbers = #tpu.dot_dimension_numbers<[1], [0], [0], [1], [0, 0, 1, 1], [], []>, transpose_lhs_hint = false} : vector<10000x128xf32>, vector<128x64xf32>, vector<10000x64xf32> -> vector<10000x64xf32>
    %get3A_109 = arith.constant 1 : index
    %get3A_110 = arith.constant 0 : index
    %get3A_111 = arith.constant 0 : index
    %get3A_112 = vector.load %arg6[%get3A_109, %get3A_110, %get3A_111] : memref<2x1x64xf32, #tpu.memory_space<vmem>>, vector<1x1x64xf32>
    %get3A_113 = vector.shape_cast %get3A_112 : vector<1x1x64xf32> to vector<1x64xf32>
    %add3A_114 = vector.broadcast %get3A_113 : vector<1x64xf32> to vector<10000x64xf32>
    %add3A_115 = arith.addf %dot_general3A_108, %add3A_114 : vector<10000x64xf32>
    %swap3A_116 = arith.constant 1 : index
    %swap3A_117 = arith.constant 0 : index
    %swap3A_118 = arith.constant 0 : index
    %swap3A_119 = vector.load %arg10[%swap3A_116, %swap3A_117, %swap3A_118] : memref<2x10000x64xf32, #tpu.memory_space<vmem>>, vector<1x10000x64xf32>
    %swap3A_120 = vector.shape_cast %swap3A_119 : vector<1x10000x64xf32> to vector<10000x64xf32>
    %swap3A_121 = vector.shape_cast %add3A_115 : vector<10000x64xf32> to vector<1x10000x64xf32>
    tpu.vector_store %arg10[%swap3A_116, %swap3A_117, %swap3A_118], %swap3A_121 {strides = array<i32>} : memref<2x10000x64xf32, #tpu.memory_space<vmem>>, vector<1x10000x64xf32>,
    return
  }
}

</mosaic_0001>

<sc_bundles>
// kernel: closed_call.15.cloned.1.call-start
scs
__scs_entry_jumppad:
0x0: {  	(pc) =	sbr.rel $0x88, $3  }
0x1: {  	(tag) =	ssettag $0x0;
	lr =	simm.s32 $0x1  }
0x2: {  	[smem:$0x3F99] =	sst lr;
	_ =	strace $0xD0000000  }
0x3: {  	_ = 	snop  }
0x4: {  	_ = 	snop  }
0x5: {  	_ = 	snop  }
0x6: {  	_ = 	snop  }
0x7: {  	_ = 	snop  }
__scs_overlays_trampoline_lowered:
0x8: {  	[smem:$0x3FA8] =	sst s0  }
0x9: {  	[smem:$0x3FA9] =	sst s1  }
0xa: {  	[smem:$0x3FAA] =	sst s2  }
0xb: {  	[smem:$0x3FAB] =	sst s3  }
0xc: {  	[smem:$0x3FAC] =	sst s4  }
0xd: {  	[smem:$0x3FAD] =	sst s5  }
0xe: {  	[smem:$0x3FAE] =	sst s6  }
0xf: {  	[smem:$0x3FAF] =	sst s7  }
0x10: {  	[smem:$0x3FB0] =	sst s8  }
0x11: {  	[smem:$0x3FB1] =	sst s9;
	s0 =	simm.s32 @!p0 $0x0  }
0x12: {  	s1 =	sld [smem:$0x3F97];
	s0 =	simm.s32 @p0 $0x1  }
0x13: {  	[smem:$0x3FB2] =	sst s0;
	s0 =	simm.s32 @!p1 $0x0  }
0x14: {  	s2 =	sld [smem:$0x3F96];
	s0 =	simm.s32 @p1 $0x1  }
0x15: {  	[smem:$0x3FB3] =	sst s0;
	s0 =	simm.s32 @!p2 $0x0  }
0x16: {  	s3 =	sld [smem:$0x3FDB];
	s0 =	simm.s32 @p2 $0x1  }
0x17: {  	s4 =	simm.s32 $0x1BF5;
	[smem:$0x3FB5] =	sst s0  }
0x18: {  	s0 =	sld [smem:$0x3F98];
	_ =	swait.ge [sflag:s4], $0x0  }
0x19: {  	s7 =	sld [smem:$0x3F99]  }
0x1a: {  	s8 =	sadd.s32 $0xFFFFE003, lr  }
0x1b: {  	s9 =	sadd.s32 $0xFFFFFEF7, lr;
	s5 =	simm.s32 $0xFFFFFFFF;
	p2 =	slt.u32 s8, $0xFFFFF086  }
0x1c: {  	p1 =	slt.u32 s9, $0xF7A;
	s5 =	simm.s32 @!p2 $0x0  }
0x1d: {  	s5 =	simm.s32 @p1 $0x1;
	p0 =	seq.s32 s7, s2  }
0x1e: {  	s7 =	smul.u32 @!p0 $0xF7A, s2;
	p2 =	seq.s32 @!p0 s5, $0x0  }
0x1f: {  	s9 =	smul.u32 $0xF7A, s1;
	s8 =	simm.s32 @!p0 $0x1BF5;
	p2 =	por !p2, p0  }
0x20: {  	[sflag:s8] =	ssyncset.s32 @!p0 $0xFFFFF086;
	s6 =	sadd.s32 @!p0 s3, s7;
	s7 =	simm.s32 @!p0 $0x108  }
0x21: {  	s3 =	sadd.s32 s3, s9;
	s6 =	sadd.s32 @!p0 $0x88, s6;
	s7 =	simm.s32 @p2 $0x1082  }
0x22: {  	[simem:s7], [sflag:s8] =	dma.local @!p0 [hbm:s6], $0xF7A  }
0x23: {  	s9 =	sor.u32 $0xD0000000, s2;
	s6 =	simm.s32 $0x108;
	_ =	swait.ge @!p0 [sflag:s8], $0x0  }
0x24: {  	s3 =	sadd.s32 $0x88, s3;
	s6 =	simm.s32 @!p1 $0x1082;
	[sflag:s4] =	ssyncset.s32 $0xFFFFF086  }
0x25: {  	[simem:s6], [sflag:s4] =	dma.local [hbm:s3], $0xF7A  }
0x26: {  	[smem:$0x3F99] =	sst s1;
	(tag) =	ssettag s2;
	_ =	strace s9  }
0x27: {  	s1 =	sld [smem:$0x3FA9]  }
0x28: {  	s2 =	sld [smem:$0x3FAA]  }
0x29: {  	s4 =	sld [smem:$0x3FAC]  }
0x2a: {  	p0 =	seq.s32 s5, $0x0;
	s5 =	sld [smem:$0x3FAD]  }
0x2b: {  	s6 =	sld [smem:$0x3FAE]  }
0x2c: {  	s7 =	sld [smem:$0x3FAF]  }
0x2d: {  	s3 =	simm.s32 $0x108;
	s8 =	sld [smem:$0x3FB0]  }
0x2e: {  	s3 =	simm.s32 @!p0 $0x1082;
	s9 =	sld [smem:$0x3FB1]  }
0x2f: {  	lr =	sadd.s32 s0, s3;
	s0 =	sld [smem:$0x3FA8]  }
0x30: {  	s3 =	sld [smem:$0x3FAB]  }
0x31: {  	[smem:$0x3FB4] =	sst s10  }
0x32: {  	s10 =	sld [smem:$0x3FB2];
	_ =	sdelay $0x3  }
0x33: {  	p0 =	seq.s32 s10, $0x1;
	s10 =	sld [smem:$0x3FB4];
	_ =	sdelay $0x3  }
0x34: {  	[smem:$0x3FB4] =	sst s10  }
0x35: {  	s10 =	sld [smem:$0x3FB3];
	_ =	sdelay $0x3  }
0x36: {  	p1 =	seq.s32 s10, $0x1;
	s10 =	sld [smem:$0x3FB4];
	_ =	sdelay $0x3  }
0x37: {  	[smem:$0x3FB4] =	sst s10  }
0x38: {  	s10 =	sld [smem:$0x3FB5]  }
0x39: {  	_ = 	snop;
	(pc) =	sbr.ind lr, $3  }
0x3a: {  	_ = 	snop  }
0x3b: {  	_ = 	snop  }
0x3c: {  	p2 =	seq.s32 s10, $0x1;
	s10 =	sld [smem:$0x3FB4]  }
0x3d: {  	_ =	shalt  }
0x3e: {  	_ =	shalt  }
0x3f: {  	_ =	shalt  }
0x40: {  	_ =	shalt  }
0x41: {  	_ =	shalt  }
0x42: {  	_ =	shalt  }
0x43: {  	_ =	shalt  }
0x44: {  	_ =	shalt  }
0x45: {  	_ =	shalt  }
0x46: {  	_ =	shalt  }
0x47: {  	_ =	shalt  }
0x48: {  	_ =	shalt  }
0x49: {  	_ =	shalt  }
0x4a: {  	_ =	shalt  }
0x4b: {  	_ =	shalt  }
0x4c: {  	_ =	shalt  }
0x4d: {  	_ =	shalt  }
0x4e: {  	_ =	shalt  }
0x4f: {  	_ =	shalt  }
0x50: {  	_ =	shalt  }
0x51: {  	_ =	shalt  }
0x52: {  	_ =	shalt  }
0x53: {  	_ =	shalt  }
0x54: {  	_ =	shalt  }
0x55: {  	_ =	shalt  }
0x56: {  	_ =	shalt  }
0x57: {  	_ =	shalt  }
0x58: {  	_ =	shalt  }
0x59: {  	_ =	shalt  }
0x5a: {  	_ =	shalt  }
0x5b: {  	_ =	shalt  }
0x5c: {  	_ =	shalt  }
0x5d: {  	_ =	shalt  }
0x5e: {  	_ =	shalt  }
0x5f: {  	_ =	shalt  }
0x60: {  	_ =	shalt  }
0x61: {  	_ =	shalt  }
0x62: {  	_ =	shalt  }
0x63: {  	_ =	shalt  }
0x64: {  	_ =	shalt  }
0x65: {  	_ =	shalt  }
0x66: {  	_ =	shalt  }
0x67: {  	_ =	shalt  }
0x68: {  	_ =	shalt  }
0x69: {  	_ =	shalt  }
0x6a: {  	_ =	shalt  }
0x6b: {  	_ =	shalt  }
0x6c: {  	_ =	shalt  }
0x6d: {  	_ =	shalt  }
0x6e: {  	_ =	shalt  }
0x6f: {  	_ =	shalt  }
0x70: {  	_ =	shalt  }
0x71: {  	_ =	shalt  }
0x72: {  	_ =	shalt  }
0x73: {  	_ =	shalt  }
0x74: {  	_ =	shalt  }
0x75: {  	_ =	shalt  }
0x76: {  	_ =	shalt  }
0x77: {  	_ =	shalt  }
0x78: {  	_ =	shalt  }
0x79: {  	_ =	shalt  }
0x7a: {  	_ =	shalt  }
0x7b: {  	_ =	shalt  }
0x7c: {  	_ =	shalt  }
0x7d: {  	_ =	shalt  }
0x7e: {  	_ =	shalt  }
0x7f: {  	_ =	shalt  }
0x80: {  	_ =	shalt  }
0x81: {  	_ =	shalt  }
0x82: {  	_ =	shalt  }
0x83: {  	_ =	shalt  }
0x84: {  	_ =	shalt  }
0x85: {  	_ =	shalt  }
0x86: {  	_ =	shalt  }
0x87: {  	_ =	shalt  }
.Lfunc_end0:
.L_simem_size_0:
called_computation_lowered:
.L_overlay_start_0:
0x88: {  	s2 =	sld [smem:$0x3FD9]  }
0x89: {  	s3 =	sld [smem:$0x3FFE];
	_ =	sdelay $0x1  }
0x8a: {  	s1 =	srdreg.scid  }
0x8b: {  	s0 =	sand.u32 $0x1, s1  }
0x8c: {  	s16 =	sshll.u32 s0, $0xA;
	s2 =	sadd.s32 s3, s2  }
0x8d: {  	s2 =	sadd.s32 s2, s16  }
0x8e: {  	[smem:$0x3FC0] =	sst s2  }
0x8f: {  	_ = 	snop  }
0x90: {  	(tm) =	ssettm $0x1  }
0x91: {  	s17 =	sld [smem:$0x3FFB];
	_ =	sdelay $0x3  }
0x92: {  	_ =	strace s17  }
0x93: {  	s2 =	sld [smem:$0x3FFC];
	_ =	sdelay $0x3  }
0x94: {  	_ =	strace s2  }
0x95: {  	s2 =	sld [smem:$0x3FFD];
	_ =	sdelay $0x3  }
0x96: {  	_ =	strace s2  }
0x97: {  	_ =	strace $0x8FFFFFFF  }
0x98: {  	s18 =	sld [smem:$0x3FDB];
	_ =	sdelay $0x1  }
0x99: {  	s19 =	simm.s32 $_scs_section_size  }
0x9a: {  	s4 =	simm.s32 $_size__tile_overlayer_lowered;
	s5 =	simm.s32 $_tile_overlayer_lowered  }
0x9b: {  	s22 =	simm.s32 $0x1BFF;
	s21 =	sshll.u32 s5, $0x1;
	s2 =	sadd.s32 s19, s18  }
0x9c: {  	s6 =	simm.s32 $0x0;
	s20 =	sshll.u32 s4, $0x1;
	s4 =	sadd.s32 s21, s2  }
0x9d: {  	[timem:s6], [sflag:s22] =	dma.local [hbm:s4], s20  }
0x9e: {  	_ =	swait.ge [sflag:s22], s20  }
0x9f: {  	s3 =	ssub.s32 $0x0, s20;
	[sflag:s22] =	ssyncset.done $0x0  }
0xa0: {  	[sflag:s22] =	ssyncadd.s32 s3;
	_ =	sdelay $0x1  }
0xa1: {  	s23 =	simm.s32 $0x1B8B  }
0xa2: {  	_ =	swait.ge [sflag:s23], $0x1  }
0xa3: {  	[sflag:s23] =	ssyncset.done $0x0  }
0xa4: {  	s25 =	simm.s32 $0x1B8E;
	s24 =	sld [smem:$0x3FFE];
	[sflag:s23] =	ssyncadd.s32 $0xFFFFFFFF  }
0xa5: {  	s26 =	simm.s32 $execute0_lowered;
	[smem:$0x3FD2] =	sst s25  }
0xa6: {  	s4 =	sshll.u32 s26, $0x1;
	_ =	strace $0x80000049;
	[dreg:$0x1] =	wrdreg $0xFFFFFFFF  }
0xa7: {  	s28 =	simm.s32 $_size_execute0_lowered;
	s2 =	sadd.s32 s2, s4;
	[dreg:$0x0] =	wrdreg $0x0  }
0xa8: {  	s4 =	sshll.u32 s28, $0x1;
	[dreg:$0x2] =	wrdreg s2  }
0xa9: {  	[dreg:$0x3] =	wrdreg s4  }
0xaa: {  	[dreg:$0x4] =	wrdreg $0xC0  }
0xab: {  	_ =	task [dreg:s6], $0x5FFFF  }
0xac: {  	[dreg:$0x1] =	wrdreg $0xFFFFFFFF  }
0xad: {  	[dreg:$0x0] =	wrdreg $0x60  }
0xae: {  	[dreg:$0x2] =	wrdreg s24  }
0xaf: {  	[dreg:$0x3] =	wrdreg $0x92000  }
0xb0: {  	[dreg:$0x4] =	wrdreg $0x9  }
0xb1: {  	_ =	task.clear_ibuf [dreg:s6], $0x5FFFF;
	_ =	strace $0x90000049  }
0xb2: {  	s29 =	simm.s32 $0x9;
	_ =	strace $0x8000004B  }
0xb3: {  	_ =	swait.ge [sflag:s29], $0x1  }
0xb4: {  	[sflag:s29] =	ssyncadd.s32 $0xFFFFFFFF  }
0xb5: {  	_ =	strace $0x9000004B  }
0xb6: {  	_ =	sfence  }
0xb7: {  	s30 =	sld [smem:$0x0];
	_ =	sdelay $0x2  }
0xb8: {  	s31 =	sshll.u32 s1, $0xD;
	s1 =	sshrl.u32 s1, $0x2  }
0xb9: {  	s3 =	sand.u32 $0x4000, s31;
	s1 =	sadd.s32 s1, s30  }
0xba: {  	s0 =	sor.u32 s3, s0;
	s1 =	sshll.u32 s1, $0x11  }
0xbb: {  	s0 =	sor.u32 s1, s0  }
0xbc: {  	s0 =	sadd.s32 $0x8F2B, s0  }
0xbd: {  	[sflag:s0] =	ssyncadd.remote.s32 $0x1  }
0xbe: {  	_ =	sfence.sel $0xFFFF  }
0xbf: {  	[dreg:$0x0] =	wrdreg $0xFFFFFFFF;
	(pc) =	sbr.abs _section_cstart, $3  }
0xc0: {  	[dreg:$0x1] =	wrdreg $0xFFFFFFFF  }
0xc1: {  	_ =	task.clear_ibuf [dreg:s6], $0x2FFFF;
	_ =	strace $0x9FFFFFFF  }
0xc2: {  	(tm) =	ssettm $0x7FFFFFFF  }
0xc3: {  	_ =	shalt  }
tec
execute0_lowered:
.L_overlay_start_1:
0x0: {  	(tag) =	ssettag $0x1  }
0x1: {  	s9 =	rddreg [dreg:$0x0]  }
0x2: {  	s0 =	srdreg.scid;
	s2 =	rddreg [dreg:$0x1];
	s3 =	simm.s32 $0x0  }
0x3: {  	s13 =	simm.s32 $0x2900;
	s16 =	simm.s32 $0x80;
	s17 =	simm.s32 $0x5200  }
0x4: {  	s18 =	simm.s32 $0x7200;
	s19 =	simm.s32 $0x1;
	s20 =	simm.s32 $0x2  }
0x5: {  	s21 =	simm.s32 $0x5100;
	s22 =	simm.s32 $0x5180;
	s23 =	simm.s32 $0x0  }
0x6: {  	s5 =	sand.u32 $0x1, s0;
	s0 =	stileid.u32;
	[smem:$0x7FF] =	sst s3  }
0x7: {  	s4 =	sadd.s32 $0x53600, s9;
	s1 =	sshll.u32 s5, $0x4;
	s7 =	smul.u32 $0x9E00, s0  }
0x8: {  	s8 =	smul.u32 $0x13C000, s5;
	s5 =	ssub.s32 $0x2, s5;
	s14 =	sshll.u32 s0, $0x6  }
0x9: {  	s1 =	sor.u32 s0, s1;
	s11 =	sshrl.u32 s5, $0x1;
	s14 =	sor.u32 $0x1C03, s14  }
0xa: {  	s6 =	smul.u32 $0x2900, s1;
	s1 =	rddreg [dreg:$0x2];
	_ =	strace $0x8000004A  }
0xb: {  	s8 =	sadd.s32 s7, s8;
	s10 =	sshrl.u32 s7, $0x3;
	s11 =	ssub.s32 s5, s11  }
0xc: {  	s15 =	sadd.s32 s7, s2;
	s8 =	sshrl.u32 s8, $0x3;
	s10 =	sadd.s32 s10, s9  }
0xd: {  	s11 =	smax.u32 s11, $0x1;
	s15 =	sshrl.u32 s15, $0x3;
	s12 =	sadd.s32 s8, s9  }
0xe: {  	s6 =	sshrl.u32 s6, $0x3;
	s7 =	sadd.s32 $0x18400, s10;
	s8 =	sadd.s32 $0x117A00, s12  }
0xf: {  	s6 =	sadd.s32 s6, s9;
	s9 =	sadd.s32 $0x66E80, s9;
	s10 =	sadd.s32 $0x12B600, s12  }
0x10: {  	s12 =	simm.s32 $0x3;
	s5 =	sadd.s32 $0x3BC00, s6;
	s6 =	sadd.s32 $0x46000, s6  }
.LBB2_1:
0x11: {  	[tilespmem:s3], [sflag:$0x3] =	stream.linear.gather [hbm4b:s5+s3], $0x2900, $0x38;
	[tilespmem:$0x13000] =	vst v63  }
0x12: {  	_ =	swait.ge [sflag:s12], $0x2900  }
0x13: {  	[sflag:s12] =	ssyncset.done $0x0  }
0x14: {  	[sflag:s12] =	ssyncadd.s32 $0xFFFFD700  }
0x15: {  	[tilespmem:s13], [sflag:$0x3] =	stream.linear.gather [hbm4b:s6+s3], $0x2900, $0x38;
	[tilespmem:$0x13000] =	vst v63  }
0x16: {  	_ =	swait.ge [sflag:s12], $0x2900  }
0x17: {  	[sflag:s12] =	ssyncset.done $0x0  }
0x18: {  	[sflag:s12] =	ssyncadd.s32 $0xFFFFD700  }
0x19: {  	[spmem:s15], [sflag:s14] =	dma.local [hbm:s7], $0x13C0  }
0x1a: {  	_ =	swait.ge [sflag:s12], $0x13C0  }
0x1b: {  	[sflag:s12] =	ssyncset.done $0x0  }
0x1c: {  	[sflag:s12] =	ssyncadd.s32 $0xFFFFEC40  }
0x1d: {  	[bflag:$0x0] =	sbarrier.arrive $0xFFFF  }
0x1e: {  	[tilespmem:s17], [sflag:$0x1] =	stream.indirect.gather [hbm4b:s4+s16], $0x40, s3, s16, $0xb8;
	[tilespmem:$0x13000] =	vst v63  }
0x1f: {  	_ = 	snop  }
0x20: {  	[tilespmem:s18], [sflag:$0x2] =	stream.indirect.gather [hbm4b:s4+s16], $0x40, s16, s16, $0xb8;
	[tilespmem:$0x13000] =	vst v63  }
0x21: {  	_ =	swait.ge [sflag:s19], $0x2000  }
0x22: {  	[sflag:s19] =	ssyncset.done $0x0  }
0x23: {  	s24 =	simm.s32 $0x2900;
	[sflag:s19] =	ssyncadd.s32 $0xFFFFE000  }
0x24: {  	[spmem:s2] =	stream.indirect.scatter.add.f32 [tilespmem:s17], [sflag:$0x3], $0x40, s24, s16, $0xb8;
	[tilespmem:$0x13000] =	vst v63  }
0x25: {  	_ =	swait.ge [sflag:s12], $0x2000  }
0x26: {  	[sflag:s12] =	ssyncset.done $0x0  }
0x27: {  	s30 =	simm.s32 $0x100;
	[sflag:s12] =	ssyncadd.s32 $0xFFFFE000  }
0x28: {  	[tilespmem:s17], [sflag:$0x1] =	stream.indirect.gather [hbm4b:s4+s16], $0x40, s30, s16, $0xb8;
	[tilespmem:$0x13000] =	vst v63  }
0x29: {  	_ =	swait.ge [sflag:s20], $0x2000  }
0x2a: {  	[sflag:s20] =	ssyncset.done $0x0  }
0x2b: {  	s31 =	simm.s32 $0x2980;
	[sflag:s20] =	ssyncadd.s32 $0xFFFFE000  }
0x2c: {  	[spmem:s2] =	stream.indirect.scatter.add.f32 [tilespmem:s18], [sflag:$0x3], $0x40, s31, s16, $0xb8;
	[tilespmem:$0x13000] =	vst v63  }
0x2d: {  	_ =	swait.ge [sflag:s12], $0x2000  }
0x2e: {  	[sflag:s12] =	ssyncset.done $0x0  }
0x2f: {  	s25 =	simm.s32 $0x180;
	s24 =	simm.s32 $0x400;
	[sflag:s12] =	ssyncadd.s32 $0xFFFFE000  }
.LBB2_2:
0x30: {  	[tilespmem:s18], [sflag:$0x2] =	stream.indirect.gather [hbm4b:s4+s16], $0x40, s25, s16, $0xb8;
	[tilespmem:$0x13000] =	vst v63  }
0x31: {  	s25 =	smov.u32 s24  }
0x32: {  	p0 =	sne.s32 s24, $0x9C00;
	s24 =	sadd.s32 $0x400, s24;
	_ =	swait.ge [sflag:s19], $0x2000  }
0x33: {  	s25 =	sshra.s32 s25, $0x2;
	[sflag:s19] =	ssyncset.done $0x0  }
0x34: {  	s26 =	sadd.s32 $0x2900, s25;
	[sflag:s19] =	ssyncadd.s32 $0xFFFFE000  }
0x35: {  	[spmem:s2] =	stream.indirect.scatter.add.f32 [tilespmem:s17], [sflag:$0x3], $0x40, s26, s16, $0xb8;
	[tilespmem:$0x13000] =	vst v63  }
0x36: {  	_ =	swait.ge [sflag:s12], $0x2000  }
0x37: {  	[sflag:s12] =	ssyncset.done $0x0  }
0x38: {  	s26 =	sadd.s32 $0x100, s25;
	[sflag:s12] =	ssyncadd.s32 $0xFFFFE000  }
0x39: {  	[tilespmem:s17], [sflag:$0x1] =	stream.indirect.gather [hbm4b:s4+s16], $0x40, s26, s16, $0xb8;
	[tilespmem:$0x13000] =	vst v63  }
0x3a: {  	_ =	swait.ge [sflag:s20], $0x2000  }
0x3b: {  	[sflag:s20] =	ssyncset.done $0x0  }
.Ltmp0:
0x3c: {  	s26 =	sadd.s32 $0x2980, s25;
	[sflag:s20] =	ssyncadd.s32 $0xFFFFE000;
	(pc) =	sbr.rel @p0 .LBB2_2-.Ltmp0, $4  }
0x3d: {  	[spmem:s2] =	stream.indirect.scatter.add.f32 [tilespmem:s18], [sflag:$0x3], $0x40, s26, s16, $0xb8;
	[tilespmem:$0x13000] =	vst v63  }
0x3e: {  	_ =	swait.ge [sflag:s12], $0x2000  }
0x3f: {  	[sflag:s12] =	ssyncset.done $0x0  }
0x40: {  	s25 =	sadd.s32 $0x180, s25;
	[sflag:s12] =	ssyncadd.s32 $0xFFFFE000  }
0x41: {  	[tilespmem:s18], [sflag:$0x2] =	stream.indirect.gather [hbm4b:s4+s16], $0x40, s25, s16, $0xb8;
	[tilespmem:$0x13000] =	vst v63  }
0x42: {  	_ =	swait.ge [sflag:s19], $0x2000  }
0x43: {  	[sflag:s19] =	ssyncset.done $0x0  }
0x44: {  	[sflag:s19] =	ssyncadd.s32 $0xFFFFE000  }
0x45: {  	[spmem:s2] =	stream.indirect.scatter.add.f32 [tilespmem:s17], [sflag:$0x3], $0x40, s21, s16, $0xb8;
	[tilespmem:$0x13000] =	vst v63  }
0x46: {  	_ =	swait.ge [sflag:s12], $0x2000  }
0x47: {  	[sflag:s12] =	ssyncset.done $0x0  }
0x48: {  	[sflag:s12] =	ssyncadd.s32 $0xFFFFE000  }
0x49: {  	_ =	swait.ge [sflag:s20], $0x2000  }
0x4a: {  	[sflag:s20] =	ssyncset.done $0x0  }
0x4b: {  	[sflag:s20] =	ssyncadd.s32 $0xFFFFE000  }
0x4c: {  	[spmem:s2] =	stream.indirect.scatter.add.f32 [tilespmem:s18], [sflag:$0x3], $0x40, s22, s16, $0xb8;
	[tilespmem:$0x13000] =	vst v63  }
0x4d: {  	_ =	swait.ge [sflag:s12], $0x2000  }
0x4e: {  	[sflag:s12] =	ssyncset.done $0x0  }
0x4f: {  	[sflag:s12] =	ssyncadd.s32 $0xFFFFE000  }
0x50: {  	[bflag:$0x0] =	sbarrier.arrive $0xFFFF  }
0x51: {  	[hbm:s8], [sflag:s14] =	dma.local [spmem:s15], $0x13C0  }
0x52: {  	_ =	swait.ge [sflag:s12], $0x13C0  }
0x53: {  	[sflag:s12] =	ssyncset.done $0x0  }
0x54: {  	[sflag:s12] =	ssyncadd.s32 $0xFFFFEC40  }
0x55: {  	[spmem:s15], [sflag:s14] =	dma.local [hbm:s7], $0x13C0  }
0x56: {  	_ =	swait.ge [sflag:s12], $0x13C0  }
0x57: {  	[sflag:s12] =	ssyncset.done $0x0  }
0x58: {  	[sflag:s12] =	ssyncadd.s32 $0xFFFFEC40  }
0x59: {  	s24 =	simm.s32 $0x0;
	[bflag:$0x0] =	sbarrier.arrive $0xFFFF  }
0x5a: {  	[tilespmem:s17], [sflag:$0x1] =	stream.indirect.gather [hbm4b:s9+s16], $0x40, s24, s16, $0xb8;
	[tilespmem:$0x13000] =	vst v63  }
0x5b: {  	_ = 	snop  }
0x5c: {  	[tilespmem:s18], [sflag:$0x2] =	stream.indirect.gather [hbm4b:s9+s16], $0x40, s16, s16, $0xb8;
	[tilespmem:$0x13000] =	vst v63  }
0x5d: {  	_ =	swait.ge [sflag:s19], $0x2000  }
0x5e: {  	[sflag:s19] =	ssyncset.done $0x0  }
0x5f: {  	s29 =	simm.s32 $0x2900;
	[sflag:s19] =	ssyncadd.s32 $0xFFFFE000  }
0x60: {  	[spmem:s2] =	stream.indirect.scatter.add.f32 [tilespmem:s17], [sflag:$0x3], $0x40, s29, s16, $0xb8;
	[tilespmem:$0x13000] =	vst v63  }
0x61: {  	_ =	swait.ge [sflag:s12], $0x2000  }
0x62: {  	[sflag:s12] =	ssyncset.done $0x0  }
0x63: {  	s30 =	simm.s32 $0x100;
	[sflag:s12] =	ssyncadd.s32 $0xFFFFE000  }
0x64: {  	[tilespmem:s17], [sflag:$0x1] =	stream.indirect.gather [hbm4b:s9+s16], $0x40, s30, s16, $0xb8;
	[tilespmem:$0x13000] =	vst v63  }
0x65: {  	_ =	swait.ge [sflag:s20], $0x2000  }
0x66: {  	[sflag:s20] =	ssyncset.done $0x0  }
0x67: {  	s31 =	simm.s32 $0x2980;
	[sflag:s20] =	ssyncadd.s32 $0xFFFFE000  }
0x68: {  	[spmem:s2] =	stream.indirect.scatter.add.f32 [tilespmem:s18], [sflag:$0x3], $0x40, s31, s16, $0xb8;
	[tilespmem:$0x13000] =	vst v63  }
0x69: {  	_ =	swait.ge [sflag:s12], $0x2000  }
0x6a: {  	[sflag:s12] =	ssyncset.done $0x0  }
0x6b: {  	s25 =	simm.s32 $0x180;
	s24 =	simm.s32 $0x400;
	[sflag:s12] =	ssyncadd.s32 $0xFFFFE000  }
.LBB2_4:
0x6c: {  	[tilespmem:s18], [sflag:$0x2] =	stream.indirect.gather [hbm4b:s9+s16], $0x40, s25, s16, $0xb8;
	[tilespmem:$0x13000] =	vst v63  }
0x6d: {  	s25 =	smov.u32 s24  }
0x6e: {  	p0 =	sne.s32 s24, $0x9C00;
	s24 =	sadd.s32 $0x400, s24;
	_ =	swait.ge [sflag:s19], $0x2000  }
0x6f: {  	s25 =	sshra.s32 s25, $0x2;
	[sflag:s19] =	ssyncset.done $0x0  }
0x70: {  	s26 =	sadd.s32 $0x2900, s25;
	[sflag:s19] =	ssyncadd.s32 $0xFFFFE000  }
0x71: {  	[spmem:s2] =	stream.indirect.scatter.add.f32 [tilespmem:s17], [sflag:$0x3], $0x40, s26, s16, $0xb8;
	[tilespmem:$0x13000] =	vst v63  }
0x72: {  	_ =	swait.ge [sflag:s12], $0x2000  }
0x73: {  	[sflag:s12] =	ssyncset.done $0x0  }
0x74: {  	s26 =	sadd.s32 $0x100, s25;
	[sflag:s12] =	ssyncadd.s32 $0xFFFFE000  }
0x75: {  	[tilespmem:s17], [sflag:$0x1] =	stream.indirect.gather [hbm4b:s9+s16], $0x40, s26, s16, $0xb8;
	[tilespmem:$0x13000] =	vst v63  }
0x76: {  	_ =	swait.ge [sflag:s20], $0x2000  }
0x77: {  	[sflag:s20] =	ssyncset.done $0x0  }
.Ltmp1:
0x78: {  	s26 =	sadd.s32 $0x2980, s25;
	[sflag:s20] =	ssyncadd.s32 $0xFFFFE000;
	(pc) =	sbr.rel @p0 .LBB2_4-.Ltmp1, $4  }
0x79: {  	[spmem:s2] =	stream.indirect.scatter.add.f32 [tilespmem:s18], [sflag:$0x3], $0x40, s26, s16, $0xb8;
	[tilespmem:$0x13000] =	vst v63  }
0x7a: {  	_ =	swait.ge [sflag:s12], $0x2000  }
0x7b: {  	[sflag:s12] =	ssyncset.done $0x0  }
0x7c: {  	s25 =	sadd.s32 $0x180, s25;
	[sflag:s12] =	ssyncadd.s32 $0xFFFFE000  }
0x7d: {  	[tilespmem:s18], [sflag:$0x2] =	stream.indirect.gather [hbm4b:s9+s16], $0x40, s25, s16, $0xb8;
	[tilespmem:$0x13000] =	vst v63  }
0x7e: {  	_ =	swait.ge [sflag:s19], $0x2000  }
0x7f: {  	[sflag:s19] =	ssyncset.done $0x0  }
0x80: {  	[sflag:s19] =	ssyncadd.s32 $0xFFFFE000  }
0x81: {  	[spmem:s2] =	stream.indirect.scatter.add.f32 [tilespmem:s17], [sflag:$0x3], $0x40, s21, s16, $0xb8;
	[tilespmem:$0x13000] =	vst v63  }
0x82: {  	_ =	swait.ge [sflag:s12], $0x2000  }
0x83: {  	[sflag:s12] =	ssyncset.done $0x0  }
0x84: {  	[sflag:s12] =	ssyncadd.s32 $0xFFFFE000  }
0x85: {  	_ =	swait.ge [sflag:s20], $0x2000  }
0x86: {  	[sflag:s20] =	ssyncset.done $0x0  }
0x87: {  	[sflag:s20] =	ssyncadd.s32 $0xFFFFE000  }
0x88: {  	[spmem:s2] =	stream.indirect.scatter.add.f32 [tilespmem:s18], [sflag:$0x3], $0x40, s22, s16, $0xb8;
	[tilespmem:$0x13000] =	vst v63  }
0x89: {  	_ =	swait.ge [sflag:s12], $0x2000  }
0x8a: {  	s23 =	sadd.s32 $0x1, s23;
	[sflag:s12] =	ssyncset.done $0x0  }
0x8b: {  	p0 =	sne.s32 s23, s11;
	[sflag:s12] =	ssyncadd.s32 $0xFFFFE000  }
.Ltmp2:
0x8c: {  	[bflag:$0x0] =	sbarrier.arrive $0xFFFF;
	(pc) =	sbr.rel @p0 .LBB2_1-.Ltmp2, $4  }
0x8d: {  	[hbm:s10], [sflag:s14] =	dma.local [spmem:s15], $0x13C0  }
0x8e: {  	_ =	swait.ge [sflag:s12], $0x13C0  }
0x8f: {  	[sflag:s12] =	ssyncset.done $0x0  }
0x90: {  	[sflag:s12] =	ssyncadd.s32 $0xFFFFEC40  }
0x91: {  	_ =	sfence.sel $0x180000  }
0x92: {  	[bflag:$0x0] =	sbarrier.arrive $0xFFFF  }
0x93: {  	p0 =	sne.s32 s0, $0x0;
	_ =	strace $0x9000004A  }
0x94: {  	s0 =	sadd.s32 @!p0 $0x100000, s1;
	[bflag:$0x2] =	sbarrier.arrive $0xFFFF  }
0x95: {  	[sflag:s0] =	ssyncadd.tile.s32 @!p0 $0x1;
	_ =	shalt  }
.Lfunc_end2:
_tile_overlayer_lowered:
.L_overlay_start_2:
0x96: {  	(tag) =	ssettag $0x2  }
0x97: {  	s0 =	rddreg [dreg:$0x0];
	s2 =	stileid.u32  }
0x98: {  	s1 =	rddreg [dreg:$0x1];
	p0 =	sne.s32 s2, $0x0  }
0x99: {  	s3 =	rddreg [dreg:$0x2];
	[bflag:$0x3] =	sbarrier.arrive $0xFFFF;
	s2 =	simm.s32 @!p0 $0x1C03  }
0x9a: {  	[timem:s3], [sflag:s2] =	dma.local @!p0 [hbm:s0], s1  }
0x9b: {  	s0 =	simm.s32 @!p0 $0x3  }
0x9c: {  	_ =	swait.ge @!p0 [sflag:s0], s1  }
0x9d: {  	s1 =	ssub.s32 @!p0 $0x0, s1;
	[sflag:s0] =	ssyncset.done @!p0 $0x0  }
0x9e: {  	[sflag:s0] =	ssyncadd.s32 @!p0 s1  }
0x9f: {  	[bflag:$0x3] =	sbarrier.arrive $0xFFFF  }
0xa0: {  	_ =	shalt  }

// kernel: kernel.4.cloned.1.call-start
scs
__scs_entry_jumppad:
0x0: {  	(pc) =	sbr.rel $0x88, $3  }
0x1: {  	(tag) =	ssettag $0x0;
	lr =	simm.s32 $0x1  }
0x2: {  	[smem:$0x3F99] =	sst lr;
	_ =	strace $0xD0000000  }
0x3: {  	_ = 	snop  }
0x4: {  	_ = 	snop  }
0x5: {  	_ = 	snop  }
0x6: {  	_ = 	snop  }
0x7: {  	_ = 	snop  }
__scs_overlays_trampoline_lowered:
0x8: {  	[smem:$0x3FA8] =	sst s0  }
0x9: {  	[smem:$0x3FA9] =	sst s1  }
0xa: {  	[smem:$0x3FAA] =	sst s2  }
0xb: {  	[smem:$0x3FAB] =	sst s3  }
0xc: {  	[smem:$0x3FAC] =	sst s4  }
0xd: {  	[smem:$0x3FAD] =	sst s5  }
0xe: {  	[smem:$0x3FAE] =	sst s6  }
0xf: {  	[smem:$0x3FAF] =	sst s7  }
0x10: {  	[smem:$0x3FB0] =	sst s8  }
0x11: {  	[smem:$0x3FB1] =	sst s9;
	s0 =	simm.s32 @!p0 $0x0  }
0x12: {  	s1 =	sld [smem:$0x3F97];
	s0 =	simm.s32 @p0 $0x1  }
0x13: {  	[smem:$0x3FB2] =	sst s0;
	s0 =	simm.s32 @!p1 $0x0  }
0x14: {  	s2 =	sld [smem:$0x3F96];
	s0 =	simm.s32 @p1 $0x1  }
0x15: {  	[smem:$0x3FB3] =	sst s0;
	s0 =	simm.s32 @!p2 $0x0  }
0x16: {  	s3 =	sld [smem:$0x3FDB];
	s0 =	simm.s32 @p2 $0x1  }
0x17: {  	s4 =	simm.s32 $0x1BF5;
	[smem:$0x3FB5] =	sst s0  }
0x18: {  	s0 =	sld [smem:$0x3F98];
	_ =	swait.ge [sflag:s4], $0x0  }
0x19: {  	s7 =	sld [smem:$0x3F99]  }
0x1a: {  	s8 =	sadd.s32 $0xFFFFE003, lr  }
0x1b: {  	s9 =	sadd.s32 $0xFFFFFEF7, lr;
	s5 =	simm.s32 $0xFFFFFFFF;
	p2 =	slt.u32 s8, $0xFFFFF086  }
0x1c: {  	p1 =	slt.u32 s9, $0xF7A;
	s5 =	simm.s32 @!p2 $0x0  }
0x1d: {  	s5 =	simm.s32 @p1 $0x1;
	p0 =	seq.s32 s7, s2  }
0x1e: {  	s7 =	smul.u32 @!p0 $0xF7A, s2;
	p2 =	seq.s32 @!p0 s5, $0x0  }
0x1f: {  	s9 =	smul.u32 $0xF7A, s1;
	s8 =	simm.s32 @!p0 $0x1BF5;
	p2 =	por !p2, p0  }
0x20: {  	[sflag:s8] =	ssyncset.s32 @!p0 $0xFFFFF086;
	s6 =	sadd.s32 @!p0 s3, s7;
	s7 =	simm.s32 @!p0 $0x108  }
0x21: {  	s3 =	sadd.s32 s3, s9;
	s6 =	sadd.s32 @!p0 $0x88, s6;
	s7 =	simm.s32 @p2 $0x1082  }
0x22: {  	[simem:s7], [sflag:s8] =	dma.local @!p0 [hbm:s6], $0xF7A  }
0x23: {  	s9 =	sor.u32 $0xD0000000, s2;
	s6 =	simm.s32 $0x108;
	_ =	swait.ge @!p0 [sflag:s8], $0x0  }
0x24: {  	s3 =	sadd.s32 $0x88, s3;
	s6 =	simm.s32 @!p1 $0x1082;
	[sflag:s4] =	ssyncset.s32 $0xFFFFF086  }
0x25: {  	[simem:s6], [sflag:s4] =	dma.local [hbm:s3], $0xF7A  }
0x26: {  	[smem:$0x3F99] =	sst s1;
	(tag) =	ssettag s2;
	_ =	strace s9  }
0x27: {  	s1 =	sld [smem:$0x3FA9]  }
0x28: {  	s2 =	sld [smem:$0x3FAA]  }
0x29: {  	s4 =	sld [smem:$0x3FAC]  }
0x2a: {  	p0 =	seq.s32 s5, $0x0;
	s5 =	sld [smem:$0x3FAD]  }
0x2b: {  	s6 =	sld [smem:$0x3FAE]  }
0x2c: {  	s7 =	sld [smem:$0x3FAF]  }
0x2d: {  	s3 =	simm.s32 $0x108;
	s8 =	sld [smem:$0x3FB0]  }
0x2e: {  	s3 =	simm.s32 @!p0 $0x1082;
	s9 =	sld [smem:$0x3FB1]  }
0x2f: {  	lr =	sadd.s32 s0, s3;
	s0 =	sld [smem:$0x3FA8]  }
0x30: {  	s3 =	sld [smem:$0x3FAB]  }
0x31: {  	[smem:$0x3FB4] =	sst s10  }
0x32: {  	s10 =	sld [smem:$0x3FB2];
	_ =	sdelay $0x3  }
0x33: {  	p0 =	seq.s32 s10, $0x1;
	s10 =	sld [smem:$0x3FB4];
	_ =	sdelay $0x3  }
0x34: {  	[smem:$0x3FB4] =	sst s10  }
0x35: {  	s10 =	sld [smem:$0x3FB3];
	_ =	sdelay $0x3  }
0x36: {  	p1 =	seq.s32 s10, $0x1;
	s10 =	sld [smem:$0x3FB4];
	_ =	sdelay $0x3  }
0x37: {  	[smem:$0x3FB4] =	sst s10  }
0x38: {  	s10 =	sld [smem:$0x3FB5]  }
0x39: {  	_ = 	snop;
	(pc) =	sbr.ind lr, $3  }
0x3a: {  	_ = 	snop  }
0x3b: {  	_ = 	snop  }
0x3c: {  	p2 =	seq.s32 s10, $0x1;
	s10 =	sld [smem:$0x3FB4]  }
0x3d: {  	_ =	shalt  }
0x3e: {  	_ =	shalt  }
0x3f: {  	_ =	shalt  }
0x40: {  	_ =	shalt  }
0x41: {  	_ =	shalt  }
0x42: {  	_ =	shalt  }
0x43: {  	_ =	shalt  }
0x44: {  	_ =	shalt  }
0x45: {  	_ =	shalt  }
0x46: {  	_ =	shalt  }
0x47: {  	_ =	shalt  }
0x48: {  	_ =	shalt  }
0x49: {  	_ =	shalt  }
0x4a: {  	_ =	shalt  }
0x4b: {  	_ =	shalt  }
0x4c: {  	_ =	shalt  }
0x4d: {  	_ =	shalt  }
0x4e: {  	_ =	shalt  }
0x4f: {  	_ =	shalt  }
0x50: {  	_ =	shalt  }
0x51: {  	_ =	shalt  }
0x52: {  	_ =	shalt  }
0x53: {  	_ =	shalt  }
0x54: {  	_ =	shalt  }
0x55: {  	_ =	shalt  }
0x56: {  	_ =	shalt  }
0x57: {  	_ =	shalt  }
0x58: {  	_ =	shalt  }
0x59: {  	_ =	shalt  }
0x5a: {  	_ =	shalt  }
0x5b: {  	_ =	shalt  }
0x5c: {  	_ =	shalt  }
0x5d: {  	_ =	shalt  }
0x5e: {  	_ =	shalt  }
0x5f: {  	_ =	shalt  }
0x60: {  	_ =	shalt  }
0x61: {  	_ =	shalt  }
0x62: {  	_ =	shalt  }
0x63: {  	_ =	shalt  }
0x64: {  	_ =	shalt  }
0x65: {  	_ =	shalt  }
0x66: {  	_ =	shalt  }
0x67: {  	_ =	shalt  }
0x68: {  	_ =	shalt  }
0x69: {  	_ =	shalt  }
0x6a: {  	_ =	shalt  }
0x6b: {  	_ =	shalt  }
0x6c: {  	_ =	shalt  }
0x6d: {  	_ =	shalt  }
0x6e: {  	_ =	shalt  }
0x6f: {  	_ =	shalt  }
0x70: {  	_ =	shalt  }
0x71: {  	_ =	shalt  }
0x72: {  	_ =	shalt  }
0x73: {  	_ =	shalt  }
0x74: {  	_ =	shalt  }
0x75: {  	_ =	shalt  }
0x76: {  	_ =	shalt  }
0x77: {  	_ =	shalt  }
0x78: {  	_ =	shalt  }
0x79: {  	_ =	shalt  }
0x7a: {  	_ =	shalt  }
0x7b: {  	_ =	shalt  }
0x7c: {  	_ =	shalt  }
0x7d: {  	_ =	shalt  }
0x7e: {  	_ =	shalt  }
0x7f: {  	_ =	shalt  }
0x80: {  	_ =	shalt  }
0x81: {  	_ =	shalt  }
0x82: {  	_ =	shalt  }
0x83: {  	_ =	shalt  }
0x84: {  	_ =	shalt  }
0x85: {  	_ =	shalt  }
0x86: {  	_ =	shalt  }
0x87: {  	_ =	shalt  }
.Lfunc_end0:
.L_simem_size_0:
called_computation.1_lowered:
.L_overlay_start_0:
0x88: {  	s2 =	sld [smem:$0x3FD9]  }
0x89: {  	s3 =	sld [smem:$0x3FFE];
	_ =	sdelay $0x1  }
0x8a: {  	s1 =	srdreg.scid  }
0x8b: {  	s0 =	sand.u32 $0x1, s1  }
0x8c: {  	s16 =	sshll.u32 s0, $0xA;
	s2 =	sadd.s32 s3, s2  }
0x8d: {  	s2 =	sadd.s32 s2, s16  }
0x8e: {  	[smem:$0x3FC0] =	sst s2  }
0x8f: {  	_ = 	snop  }
0x90: {  	(tm) =	ssettm $0x1  }
0x91: {  	s17 =	sld [smem:$0x3FFB];
	_ =	sdelay $0x3  }
0x92: {  	_ =	strace s17  }
0x93: {  	s2 =	sld [smem:$0x3FFC];
	_ =	sdelay $0x3  }
0x94: {  	_ =	strace s2  }
0x95: {  	s2 =	sld [smem:$0x3FFD];
	_ =	sdelay $0x3  }
0x96: {  	_ =	strace s2  }
0x97: {  	_ =	strace $0x8FFFFFFF  }
0x98: {  	s18 =	sld [smem:$0x3FDB];
	_ =	sdelay $0x1  }
0x99: {  	s19 =	simm.s32 $_scs_section_size  }
0x9a: {  	s4 =	simm.s32 $_size__tile_overlayer_lowered;
	s5 =	simm.s32 $_tile_overlayer_lowered  }
0x9b: {  	s22 =	simm.s32 $0x1BFF;
	s21 =	sshll.u32 s5, $0x1;
	s2 =	sadd.s32 s19, s18  }
0x9c: {  	s6 =	simm.s32 $0x0;
	s20 =	sshll.u32 s4, $0x1;
	s4 =	sadd.s32 s21, s2  }
0x9d: {  	[timem:s6], [sflag:s22] =	dma.local [hbm:s4], s20  }
0x9e: {  	_ =	swait.ge [sflag:s22], s20  }
0x9f: {  	s3 =	ssub.s32 $0x0, s20;
	[sflag:s22] =	ssyncset.done $0x0  }
0xa0: {  	[sflag:s22] =	ssyncadd.s32 s3;
	_ =	sdelay $0x1  }
0xa1: {  	s23 =	simm.s32 $0x1B8B  }
0xa2: {  	_ =	swait.ge [sflag:s23], $0x1  }
0xa3: {  	[sflag:s23] =	ssyncset.done $0x0  }
0xa4: {  	s25 =	simm.s32 $0x1B8E;
	s24 =	sld [smem:$0x3FFE];
	[sflag:s23] =	ssyncadd.s32 $0xFFFFFFFF  }
0xa5: {  	s26 =	simm.s32 $execute0_lowered;
	[smem:$0x3FD2] =	sst s25  }
0xa6: {  	s4 =	sshll.u32 s26, $0x1;
	_ =	strace $0x80000046;
	[dreg:$0x1] =	wrdreg $0xFFFFFFFF  }
0xa7: {  	s28 =	simm.s32 $_size_execute0_lowered;
	s2 =	sadd.s32 s2, s4;
	[dreg:$0x0] =	wrdreg $0x0  }
0xa8: {  	s4 =	sshll.u32 s28, $0x1;
	[dreg:$0x2] =	wrdreg s2  }
0xa9: {  	[dreg:$0x3] =	wrdreg s4  }
0xaa: {  	[dreg:$0x4] =	wrdreg $0xC0  }
0xab: {  	_ =	task [dreg:s6], $0x5FFFF  }
0xac: {  	[dreg:$0x1] =	wrdreg $0xFFFFFFFF  }
0xad: {  	[dreg:$0x0] =	wrdreg $0x60  }
0xae: {  	[dreg:$0x2] =	wrdreg s24  }
0xaf: {  	[dreg:$0x3] =	wrdreg $0x31000  }
0xb0: {  	[dreg:$0x4] =	wrdreg $0x9  }
0xb1: {  	_ =	task.clear_ibuf [dreg:s6], $0x5FFFF;
	_ =	strace $0x90000046  }
0xb2: {  	s29 =	simm.s32 $0x9;
	_ =	strace $0x80000048  }
0xb3: {  	_ =	swait.ge [sflag:s29], $0x1  }
0xb4: {  	[sflag:s29] =	ssyncadd.s32 $0xFFFFFFFF  }
0xb5: {  	_ =	strace $0x90000048  }
0xb6: {  	_ =	sfence  }
0xb7: {  	s30 =	sld [smem:$0x0];
	_ =	sdelay $0x2  }
0xb8: {  	s31 =	sshll.u32 s1, $0xD;
	s1 =	sshrl.u32 s1, $0x2  }
0xb9: {  	s3 =	sand.u32 $0x4000, s31;
	s1 =	sadd.s32 s1, s30  }
0xba: {  	s0 =	sor.u32 s3, s0;
	s1 =	sshll.u32 s1, $0x11  }
0xbb: {  	s0 =	sor.u32 s1, s0  }
0xbc: {  	s0 =	sadd.s32 $0x8F2B, s0  }
0xbd: {  	[sflag:s0] =	ssyncadd.remote.s32 $0x1  }
0xbe: {  	_ =	sfence.sel $0xFFFF  }
0xbf: {  	[dreg:$0x0] =	wrdreg $0xFFFFFFFF;
	(pc) =	sbr.abs _section_cstart, $3  }
0xc0: {  	[dreg:$0x1] =	wrdreg $0xFFFFFFFF  }
0xc1: {  	_ =	task.clear_ibuf [dreg:s6], $0x2FFFF;
	_ =	strace $0x9FFFFFFF  }
0xc2: {  	(tm) =	ssettm $0x7FFFFFFF  }
0xc3: {  	_ =	shalt  }
tec
execute0_lowered:
.L_overlay_start_1:
0x0: {  	(tag) =	ssettag $0x1  }
0x1: {  	s5 =	rddreg [dreg:$0x0]  }
0x2: {  	s2 =	rddreg [dreg:$0x1]  }
0x3: {  	s0 =	rddreg [dreg:$0x2];
	s4 =	srdreg.scid  }
0x4: {  	s3 =	simm.s32 $0x0;
	s1 =	stileid.u32;
	s13 =	simm.s32 $0x80  }
0x5: {  	s14 =	simm.s32 $0x0;
	s6 =	sand.u32 $0x1, s4;
	[smem:$0x7FF] =	sst s3  }
0x6: {  	s7 =	smul.u32 $0x2780, s1;
	s31 =	sshll.u32 s1, $0x6;
	s4 =	sshll.u32 s6, $0x4  }
0x7: {  	_ =	strace $0x80000047;
	s8 =	smul.u32 $0x27800, s6;
	s6 =	ssub.s32 $0x2, s6  }
0x8: {  	s9 =	sor.u32 s1, s4;
	s4 =	sadd.s32 $0x2CC00, s5;
	s10 =	sshrl.u32 s7, $0x3  }
0x9: {  	s11 =	sshrl.u32 s6, $0x1;
	s12 =	sadd.s32 s7, s2;
	s9 =	smul.u32 $0x2900, s9  }
0xa: {  	s10 =	sadd.s32 s10, s5;
	s8 =	sadd.s32 s7, s8;
	s11 =	ssub.s32 s6, s11  }
0xb: {  	s12 =	sshrl.u32 s12, $0x3;
	s8 =	sshrl.u32 s8, $0x3;
	s6 =	sadd.s32 $0x2CE00, s10  }
0xc: {  	s10 =	simm.s32 $0x2900;
	s9 =	sshrl.u32 s9, $0x3;
	s8 =	sadd.s32 s8, s5  }
0xd: {  	s5 =	sadd.s32 s5, s9;
	s7 =	sadd.s32 $0x31E00, s8;
	s8 =	smax.u32 s11, $0x1  }
0xe: {  	s9 =	simm.s32 $0x1;
	s11 =	sor.u32 $0x1C01, s31;
	s5 =	sadd.s32 $0x22800, s5  }
.LBB2_1:
0xf: {  	[tilespmem:s3], [sflag:$0x1] =	stream.linear.gather [hbm4b:s5+s3], $0x2900, $0x38;
	[tilespmem:$0x5880] =	vst v63  }
0x10: {  	_ =	swait.ge [sflag:s9], $0x2900  }
0x11: {  	[sflag:s9] =	ssyncset.done $0x0  }
0x12: {  	[sflag:s9] =	ssyncadd.s32 $0xFFFFD700  }
0x13: {  	[tilespmem:s10], [sflag:$0x1] =	stream.linear.gather [hbm4b:s4+s3], $0x800, $0x38;
	[tilespmem:$0x5880] =	vst v63  }
0x14: {  	_ =	swait.ge [sflag:s9], $0x800  }
0x15: {  	[sflag:s9] =	ssyncset.done $0x0  }
0x16: {  	[sflag:s9] =	ssyncadd.s32 $0xFFFFF800  }
0x17: {  	[spmem:s12], [sflag:s11] =	dma.local [hbm:s6], $0x4F0  }
0x18: {  	_ =	swait.ge [sflag:s9], $0x4F0  }
0x19: {  	[sflag:s9] =	ssyncset.done $0x0  }
0x1a: {  	[sflag:s9] =	ssyncadd.s32 $0xFFFFFB10  }
0x1b: {  	s15 =	simm.s32 $0x0;
	[bflag:$0x0] =	sbarrier.arrive $0xFFFF  }
0x1c: {  	[spmem:s2] =	stream.indirect.scatter.add.f32 [tilespmem:s10], [sflag:$0x1], $0x10, s15, s13, $0xb8;
	[tilespmem:$0x5880] =	vst v63  }
0x1d: {  	_ =	swait.ge [sflag:s9], $0x800  }
0x1e: {  	s15 =	simm.s32 $0x200;
	[sflag:s9] =	ssyncset.done $0x0  }
.LBB2_2:
0x1f: {  	s16 =	sshra.s32 s15, $0x2;
	[sflag:s9] =	ssyncadd.s32 $0xFFFFF800;
	p0 =	sne.s32 s15, $0xA200  }
0x20: {  	[spmem:s2] =	stream.indirect.scatter.add.f32 [tilespmem:s10], [sflag:$0x1], $0x10, s16, s13, $0xb8;
	[tilespmem:$0x5880] =	vst v63  }
.Ltmp0:
0x21: {  	_ = 	snop;
	(pc) =	sbr.rel @p0 .LBB2_2-.Ltmp0, $4  }
0x22: {  	_ = 	snop  }
0x23: {  	s15 =	sadd.s32 $0x200, s15  }
0x24: {  	_ =	swait.ge [sflag:s9], $0x800  }
0x25: {  	[sflag:s9] =	ssyncset.done $0x0  }
0x26: {  	s14 =	sadd.s32 $0x1, s14  }
0x27: {  	[sflag:s9] =	ssyncadd.s32 $0xFFFFF800;
	p0 =	sne.s32 s14, s8  }
.Ltmp1:
0x28: {  	[bflag:$0x0] =	sbarrier.arrive $0xFFFF;
	(pc) =	sbr.rel @p0 .LBB2_1-.Ltmp1, $4  }
0x29: {  	[hbm:s7], [sflag:s11] =	dma.local [spmem:s12], $0x4F0  }
0x2a: {  	_ =	swait.ge [sflag:s9], $0x4F0  }
0x2b: {  	[sflag:s9] =	ssyncset.done $0x0  }
0x2c: {  	[sflag:s9] =	ssyncadd.s32 $0xFFFFFB10  }
0x2d: {  	_ =	sfence.sel $0x180000  }
0x2e: {  	[bflag:$0x0] =	sbarrier.arrive $0xFFFF  }
0x2f: {  	p0 =	sne.s32 s1, $0x0;
	_ =	strace $0x90000047  }
0x30: {  	s0 =	sadd.s32 @!p0 $0x100000, s0;
	[bflag:$0x2] =	sbarrier.arrive $0xFFFF  }
0x31: {  	[sflag:s0] =	ssyncadd.tile.s32 @!p0 $0x1;
	_ =	shalt  }
.Lfunc_end2:
_tile_overlayer_lowered:
.L_overlay_start_2:
0x32: {  	(tag) =	ssettag $0x2  }
0x33: {  	s0 =	rddreg [dreg:$0x0];
	s2 =	stileid.u32  }
0x34: {  	s1 =	rddreg [dreg:$0x1];
	p0 =	sne.s32 s2, $0x0  }
0x35: {  	s3 =	rddreg [dreg:$0x2];
	[bflag:$0x3] =	sbarrier.arrive $0xFFFF;
	s2 =	simm.s32 @!p0 $0x1C01  }
0x36: {  	[timem:s3], [sflag:s2] =	dma.local @!p0 [hbm:s0], s1  }
0x37: {  	s0 =	simm.s32 @!p0 $0x1  }
0x38: {  	_ =	swait.ge @!p0 [sflag:s0], s1  }
0x39: {  	s1 =	ssub.s32 @!p0 $0x0, s1;
	[sflag:s0] =	ssyncset.done @!p0 $0x0  }
0x3a: {  	[sflag:s0] =	ssyncadd.s32 @!p0 s1  }
0x3b: {  	[bflag:$0x3] =	sbarrier.arrive $0xFFFF  }
0x3c: {  	_ =	shalt  }

</sc_bundles>
